<compile_context>
chip_gen: v7x
topology: tpu7x:2x2x1
jax: 0.10.2.dev20260603
libtpu: 0.0.44.dev20260713+nightly
codegen_flags: <defaults>
</compile_context>

<pallas_src>
import functools

import jax
import jax.numpy as jnp
from jax import lax
from jax.experimental import pallas as pl
from jax.experimental.pallas import tpu as pltpu
from jax.experimental.pallas import tpu_sc as plsc

_NC, _NS = 2, 16
_NW = _NC * _NS

NUM_EXPERTS = 8
TOP_K = 2
D_MODEL = 1024
D_FF = 1024
SEQ = 2048
BM = 512
NUM_SLOTS = SEQ * TOP_K
PAD_T = NUM_SLOTS + NUM_EXPERTS * BM
NBLK = PAD_T // BM
CH = 512

_INTERPRET = False


def _router_body(x_ref, gw_ref, w0_ref, dest_ref, bmeta_ref, xpk_ref):
    x = x_ref[...]
    gw = gw_ref[...]
    xb = x.astype(jnp.bfloat16).astype(jnp.float32)
    bits = lax.bitcast_convert_type(xb, jnp.uint32)
    lo = bits[:, :D_MODEL // 2] >> 16
    hi = bits[:, D_MODEL // 2:] & jnp.uint32(0xFFFF0000)
    xpk_ref[...] = lax.bitcast_convert_type(lo | hi, jnp.int32)
    logits = lax.dot_general(x, gw, (((1,), (1,)), ((), ())),
                             preferred_element_type=jnp.float32)
    T, E = logits.shape
    iota = lax.broadcasted_iota(jnp.int32, (T, E), 1)
    m0 = jnp.max(logits, axis=1, keepdims=True)
    i0 = jnp.min(jnp.where(logits == m0, iota, E), axis=1)
    masked = jnp.where(iota == i0[:, None], -jnp.inf, logits)
    m1 = jnp.max(masked, axis=1, keepdims=True)
    i1 = jnp.min(jnp.where(masked == m1, iota, E), axis=1)
    w0_ref[...] = 1.0 / (1.0 + jnp.exp(m1 - m0))

    oh = jnp.concatenate(
        [(iota == i0[:, None]).astype(jnp.float32),
         (iota == i1[:, None]).astype(jnp.float32)], axis=0)
    r_iota = lax.broadcasted_iota(jnp.int32, (CH, CH), 0)
    c_iota = lax.broadcasted_iota(jnp.int32, (CH, CH), 1)
    L = (r_iota >= c_iota).astype(jnp.float32)
    carry = jnp.zeros((1, E), jnp.float32)
    ranks = []
    for c in range(NUM_SLOTS // CH):
        blk = oh[c * CH:(c + 1) * CH]
        cs = lax.dot_general(L, blk, (((1,), (0,)), ((), ())),
                             preferred_element_type=jnp.float32) + carry
        ranks.append(jnp.sum(cs * blk, axis=1, keepdims=True) - 1.0)
        carry = cs[CH - 1:CH, :]
    rank = jnp.concatenate(ranks, axis=0)
    counts = carry
    padded = (((counts.astype(jnp.int32) + BM - 1) // BM) * BM
              ).astype(jnp.float32)
    u_r = lax.broadcasted_iota(jnp.int32, (E, E), 0)
    u_c = lax.broadcasted_iota(jnp.int32, (E, E), 1)
    U = (u_r <= u_c).astype(jnp.float32)
    cum_padded = lax.dot_general(padded, U, (((1,), (0,)), ((), ())),
                                 preferred_element_type=jnp.float32)
    offsets = cum_padded - padded
    off_slot = jnp.sum(oh * offsets, axis=1, keepdims=True)
    dest_ref[...] = (off_slot + rank).astype(jnp.int32)

    b_start = (lax.broadcasted_iota(jnp.int32, (NBLK, 1), 0) * BM
               ).astype(jnp.float32)
    bexp = jnp.sum((b_start >= cum_padded).astype(jnp.int32), axis=1,
                   keepdims=True)
    bexp = jnp.minimum(bexp, E - 1)
    nab = (cum_padded[:, E - 1:E] * (1.0 / BM)).astype(jnp.int32)
    bmeta_ref[...] = jnp.concatenate([bexp, nab], axis=0)


def _dispatch_sc(x_hbm, dest_hbm, xs_hbm, idx_v, rows0, rows1,
                 lsem, ssem):
    wid = lax.axis_index("s") * _NC + lax.axis_index("c")
    tok_base = lax.rem(wid, 16) * 128
    bufs = (rows0, rows1)
    pltpu.sync_copy(dest_hbm.at[pl.ds(wid * 128, 128)], idx_v)
    loads = [pltpu.async_copy(x_hbm.at[pl.ds(tok_base + c * 64, 64)],
                              bufs[c], lsem) for c in range(2)]
    stores = []
    for c in range(2):
        loads[c].wait()
        stores.append(pltpu.async_copy(
            bufs[c], xs_hbm.at[idx_v.at[pl.ds(c * 64, 64)]], ssem))
    for cp in stores:
        cp.wait()


def _combine_sc(y_hbm, dest_hbm, w0_hbm, out_hbm, idx0_v, idx1_v, w_v,
                buf0, buf1, out_v, sem0, sem1):
    wid = lax.axis_index("s") * _NC + lax.axis_index("c")
    for c in range(4):
        tb = wid * 64 + c * 16
        pltpu.sync_copy(dest_hbm.at[pl.ds(tb, 16)], idx0_v)
        pltpu.sync_copy(dest_hbm.at[pl.ds(SEQ + tb, 16)], idx1_v)
        pltpu.sync_copy(w0_hbm.at[pl.ds(tb, 16)], w_v)
        cp0 = pltpu.async_copy(y_hbm.at[idx0_v], buf0, sem0)
        cp1 = pltpu.async_copy(y_hbm.at[idx1_v], buf1, sem1)
        cp0.wait()
        cp1.wait()

        def row(i, _):
            w0s = w_v[i]
            w1s = 1.0 - w0s
            for j in range(D_MODEL // 16):
                sl = pl.ds(j * 16, 16)
                out_v[i, sl] = w0s * buf0[i, sl] + w1s * buf1[i, sl]
            return 0

        lax.fori_loop(0, 16, row, 0)
        pltpu.sync_copy(out_v, out_hbm.at[pl.ds(tb, 16)])


def _ffn_body(bmeta_ref, x_ref, w1_ref, w2_ref, y_ref, w1b_ref, w2b_ref):
    b = pl.program_id(0)
    active = b < bmeta_ref[NBLK]
    changed = jnp.logical_or(
        b == 0, bmeta_ref[b] != bmeta_ref[jnp.maximum(b - 1, 0)])

    @pl.when(jnp.logical_and(active, changed))
    def _():
        w1b_ref[...] = w1_ref[0].astype(jnp.bfloat16)
        w2b_ref[...] = w2_ref[0].astype(jnp.bfloat16)

    @pl.when(active)
    def _():
        xpk = lax.bitcast_convert_type(x_ref[...], jnp.uint32)
        xlo = lax.bitcast_convert_type(xpk << 16, jnp.float32)
        xhi = lax.bitcast_convert_type(xpk & jnp.uint32(0xFFFF0000),
                                       jnp.float32)
        x = jnp.concatenate([xlo, xhi], axis=1).astype(jnp.bfloat16)
        h = lax.dot_general(x, w1b_ref[...], (((1,), (1,)), ((), ())),
                            preferred_element_type=jnp.float32)
        h = h * (0.5 + 0.5 * jnp.tanh(0.5 * h))
        h = h.astype(jnp.bfloat16)
        y_ref[...] = lax.dot_general(h, w2b_ref[...], (((1,), (1,)), ((), ())),
                                     preferred_element_type=jnp.float32
                                     ).astype(jnp.bfloat16)


def kernel(hidden_states, gate_w, W1, W2):
    B, S, D = hidden_states.shape
    x = hidden_states.reshape(-1, D)
    T = x.shape[0]
    E, K = NUM_EXPERTS, TOP_K

    w0, dest, bmeta, xpk = pl.pallas_call(
        _router_body,
        out_shape=(jax.ShapeDtypeStruct((T, 1), jnp.float32),
                   jax.ShapeDtypeStruct((NUM_SLOTS, 1), jnp.int32),
                   jax.ShapeDtypeStruct((NBLK + 1, 1), jnp.int32),
                   jax.ShapeDtypeStruct((T, D_MODEL // 2), jnp.int32)),
        interpret=_INTERPRET,
    )(x, gate_w)
    dest = dest[:, 0]
    bmeta = bmeta[:, 0]

    mesh = plsc.VectorSubcoreMesh(core_axis_name="c", subcore_axis_name="s")
    x_sorted = pl.kernel(
        _dispatch_sc,
        mesh=mesh,
        out_type=jax.ShapeDtypeStruct((PAD_T, D_MODEL // 2), jnp.int32),
        scratch_types=[
            pltpu.VMEM((128,), jnp.int32),
            pltpu.VMEM((64, D_MODEL // 2), jnp.int32),
            pltpu.VMEM((64, D_MODEL // 2), jnp.int32),
            pltpu.SemaphoreType.DMA,
            pltpu.SemaphoreType.DMA,
        ],
    )(xpk, dest)

    grid_spec = pltpu.PrefetchScalarGridSpec(
        num_scalar_prefetch=1,
        grid=(NBLK,),
        in_specs=[
            pl.BlockSpec((BM, D_MODEL // 2), lambda b, bm: (b, 0)),
            pl.BlockSpec((1, D_FF, D_MODEL), lambda b, bm: (bm[b], 0, 0)),
            pl.BlockSpec((1, D_MODEL, D_FF), lambda b, bm: (bm[b], 0, 0)),
        ],
        out_specs=pl.BlockSpec((BM, D_MODEL), lambda b, bm: (b, 0)),
        scratch_shapes=[pltpu.VMEM((D_FF, D_MODEL), jnp.bfloat16),
                        pltpu.VMEM((D_MODEL, D_FF), jnp.bfloat16)],
    )
    y_sorted = pl.pallas_call(
        _ffn_body,
        grid_spec=grid_spec,
        out_shape=jax.ShapeDtypeStruct((PAD_T, D_MODEL), jnp.bfloat16),
        interpret=_INTERPRET,
    )(bmeta, x_sorted, W1, W2)

    w0 = w0[:, 0]
    out = (w0[:, None] * y_sorted[dest[:T]].astype(jnp.float32)
           + (1.0 - w0)[:, None] * y_sorted[dest[T:]].astype(jnp.float32))
    return out.reshape(B, S, D)

# --- scband reference (transcript-rebuilt; emitter-appended) ---
"""Pipeline reference for scband-sparse-moe-block-orthelper-87333864996927 (READ-ONLY COPY).

The authoritative reference and input builder live on the scoring server;
editing this copy changes nothing except your own understanding.
"""

import jax, jax.numpy as jnp
import numpy as np

NUM_EXPERTS = 8
TOP_K = 2
D_MODEL = 1024
D_FF = 1024
BATCH = 1
SEQ = 2048

def setup_inputs(seed: int = 0) -> dict:
    key = jax.random.key(seed)
    k1, k2, k3, k4 = jax.random.split(key, 4)
    hidden_states = jax.random.normal(k1, (BATCH, SEQ, D_MODEL), dtype=jnp.float32)
    # gate: Linear(d_model -> num_experts), weight stored torch-style [E, d]
    gate_w = jax.random.normal(k2, (NUM_EXPERTS, D_MODEL), dtype=jnp.float32) * (1.0 / np.sqrt(D_MODEL))
    # per-expert FFN: w1 [E, d_ff, d], w2 [E, d, d_ff] (torch Linear weight layout)
    W1 = jax.random.normal(k3, (NUM_EXPERTS, D_FF, D_MODEL), dtype=jnp.float32) * (1.0 / np.sqrt(D_MODEL))
    W2 = jax.random.normal(k4, (NUM_EXPERTS, D_MODEL, D_FF), dtype=jnp.float32) * (1.0 / np.sqrt(D_FF))
    return {"hidden_states": hidden_states, "gate_w": gate_w, "W1": W1, "W2": W2}

def reference(hidden_states, gate_w, W1, W2):
    B, S, D = hidden_states.shape
    x = hidden_states.reshape(-1, D)  # [T, D]
    T = x.shape[0]
    # router
    router_logits = x @ gate_w.T                      # [T, E]
    router_probs = jax.nn.softmax(router_logits, axis=-1)
    top_w, top_i = jax.lax.top_k(router_probs, TOP_K)  # [T, K]
    top_w = top_w / jnp.sum(top_w, axis=-1, keepdims=True)
    # dense combine-weight matrix (zeros except selected experts) -- mathematically
    # identical to token dispatch in the torch Mixtral-style block
    full_w = jnp.zeros((T, NUM_EXPERTS), dtype=x.dtype)
    full_w = full_w.at[jnp.arange(T)[:, None], top_i].add(top_w)  # [T, E]
    # expert FFN: w2(silu(w1(x)))
    h = jnp.einsum('td,efd->tef', x, W1)              # [T, E, F]
    h = jax.nn.silu(h)
    y = jnp.einsum('tef,edf->ted', h, W2)             # [T, E, D]
    out = jnp.einsum('ted,te->td', y, full_w)         # [T, D]
    return out.reshape(B, S, D)

if __name__ == "__main__":
    import jax
    _d = setup_inputs()
    print(jax.jit(kernel)(*tuple(_d.values())))

</pallas_src>

<mosaic_0001>
#map = affine_map<(d0, d1) -> (0, 0)>
#map1 = affine_map<(d0, d1) -> (0)>
module attributes {stable_mosaic.version = 14 : i64} {
  func.func @_dispatch_sc(%arg0: i32, %arg1: i32, %arg2: memref<2048x512xi32, #tpu.memory_space<hbm>>, %arg3: memref<4096xi32, #tpu.memory_space<hbm>>, %arg4: memref<8192x512xi32, #tpu.memory_space<hbm>>, %arg5: memref<128xi32, #tpu.memory_space<vmem>>, %arg6: memref<64x512xi32, #tpu.memory_space<vmem>>, %arg7: memref<64x512xi32, #tpu.memory_space<vmem>>, %arg8: memref<!tpu.dma_semaphore, #tpu.memory_space<semaphore_mem>>, %arg9: memref<!tpu.dma_semaphore, #tpu.memory_space<semaphore_mem>>) attributes {dimension_semantics = [#tpu.dimension_semantics<core_parallel>, #tpu.dimension_semantics<subcore_parallel>], iteration_bounds = array<i64: 2, 16>, scalar_prefetch = 0 : i64, scratch_operands = 5 : i64, tpu.core_type = #tpu.core_type<sc_vector_subcore>, window_params = [{transform_indices = #map}, {transform_indices = #map1}, {transform_indices = #map}]} {
    %mul3A = arith.constant 2 : i32
    %mul3A_0 = arith.muli %arg1, %mul3A : i32
    %add3A = arith.addi %mul3A_0, %arg0 : i32
    %rem3A = arith.constant 16 : i32
    %rem3A_1 = arith.remsi %add3A, %rem3A : i32
    %mul3A_2 = arith.constant 128 : i32
    %mul3A_3 = arith.muli %rem3A_1, %mul3A_2 : i32
    %mul3A_4 = arith.constant 128 : i32
    %mul3A_5 = arith.muli %add3A, %mul3A_4 : i32
    "tpu.region"() ({
      %run_scoped3A = tpu.sem_alloc : memref<!tpu.dma_semaphore, #tpu.memory_space<semaphore_mem>>
      %dma_start3A_44 = tpu.memref_slice %arg3[%mul3A_5] : memref<4096xi32, #tpu.memory_space<hbm>> -> memref<128xi32, #tpu.memory_space<hbm>>
      %dma_start3A_45 = tpu.memref_slice %arg3[%mul3A_5] : memref<4096xi32, #tpu.memory_space<hbm>> -> memref<128xi32, #tpu.memory_space<hbm>>
      tpu.enqueue_dma source(%dma_start3A_45 : memref<128xi32, #tpu.memory_space<hbm>>) target(%arg5 : memref<128xi32, #tpu.memory_space<vmem>>) target_semaphore(%run_scoped3A : memref<!tpu.dma_semaphore, #tpu.memory_space<semaphore_mem>>)
      %dma_wait3A_46 = tpu.memref_slice %arg3[%mul3A_5] : memref<4096xi32, #tpu.memory_space<hbm>> -> memref<128xi32, #tpu.memory_space<hbm>>
      %dma_wait3A_47 = tpu.memref_slice %arg3[%mul3A_5] : memref<4096xi32, #tpu.memory_space<hbm>> -> memref<128xi32, #tpu.memory_space<hbm>>
      tpu.wait_dma2 semaphore(%run_scoped3A : memref<!tpu.dma_semaphore, #tpu.memory_space<semaphore_mem>>) src(%dma_wait3A_47 : memref<128xi32, #tpu.memory_space<hbm>>) dst(%arg5 : memref<128xi32, #tpu.memory_space<vmem>>)
      tpu.yield
    }) : () -> ()
    %add3A_6 = arith.constant 0 : i32
    %add3A_7 = arith.addi %mul3A_3, %add3A_6 : i32
    %dma_start3A = arith.constant 0 : i32
    %dma_start3A_8 = tpu.memref_slice %arg2[%add3A_7, %dma_start3A] : memref<2048x512xi32, #tpu.memory_space<hbm>> -> memref<64x512xi32, #tpu.memory_space<hbm>>
    %dma_start3A_9 = arith.constant 0 : i32
    %dma_start3A_10 = tpu.memref_slice %arg2[%add3A_7, %dma_start3A_9] : memref<2048x512xi32, #tpu.memory_space<hbm>> -> memref<64x512xi32, #tpu.memory_space<hbm>>
    tpu.enqueue_dma source(%dma_start3A_10 : memref<64x512xi32, #tpu.memory_space<hbm>>) target(%arg6 : memref<64x512xi32, #tpu.memory_space<vmem>>) target_semaphore(%arg8 : memref<!tpu.dma_semaphore, #tpu.memory_space<semaphore_mem>>)
    %add3A_11 = arith.constant 64 : i32
    %add3A_12 = arith.addi %mul3A_3, %add3A_11 : i32
    %dma_start3A_13 = arith.constant 0 : i32
    %dma_start3A_14 = tpu.memref_slice %arg2[%add3A_12, %dma_start3A_13] : memref<2048x512xi32, #tpu.memory_space<hbm>> -> memref<64x512xi32, #tpu.memory_space<hbm>>
    %dma_start3A_15 = arith.constant 0 : i32
    %dma_start3A_16 = tpu.memref_slice %arg2[%add3A_12, %dma_start3A_15] : memref<2048x512xi32, #tpu.memory_space<hbm>> -> memref<64x512xi32, #tpu.memory_space<hbm>>
    tpu.enqueue_dma source(%dma_start3A_16 : memref<64x512xi32, #tpu.memory_space<hbm>>) target(%arg7 : memref<64x512xi32, #tpu.memory_space<vmem>>) target_semaphore(%arg8 : memref<!tpu.dma_semaphore, #tpu.memory_space<semaphore_mem>>)
    %dma_wait3A = arith.constant 0 : i32
    %dma_wait3A_17 = tpu.memref_slice %arg2[%add3A_7, %dma_wait3A] : memref<2048x512xi32, #tpu.memory_space<hbm>> -> memref<64x512xi32, #tpu.memory_space<hbm>>
    %dma_wait3A_18 = arith.constant 0 : i32
    %dma_wait3A_19 = tpu.memref_slice %arg2[%add3A_7, %dma_wait3A_18] : memref<2048x512xi32, #tpu.memory_space<hbm>> -> memref<64x512xi32, #tpu.memory_space<hbm>>
    tpu.wait_dma2 semaphore(%arg8 : memref<!tpu.dma_semaphore, #tpu.memory_space<semaphore_mem>>) src(%dma_wait3A_19 : memref<64x512xi32, #tpu.memory_space<hbm>>) dst(%arg6 : memref<64x512xi32, #tpu.memory_space<vmem>>)
    %dma_start3A_20 = arith.constant 0 : i32
    %dma_start3A_21 = tpu.memref_slice %arg5[%dma_start3A_20] : memref<128xi32, #tpu.memory_space<vmem>> -> memref<64xi32, #tpu.memory_space<vmem>>
    %dma_start3A_22 = arith.constant 0 : i32
    %dma_start3A_23 = arith.constant 0 : i32
    %dma_start3A_24 = tpu.memref_slice %arg4[%dma_start3A_22, %dma_start3A_23] : memref<8192x512xi32, #tpu.memory_space<hbm>> -> memref<8192x512xi32, #tpu.memory_space<hbm>>
    tpu.enqueue_indirect_dma source(%arg6 : memref<64x512xi32, #tpu.memory_space<vmem>>) target(%dma_start3A_24 : memref<8192x512xi32, #tpu.memory_space<hbm>>) offsets(%dma_start3A_21 : memref<64xi32, #tpu.memory_space<vmem>>) semaphore(%arg9 : memref<!tpu.dma_semaphore, #tpu.memory_space<semaphore_mem>>)
    %dma_wait3A_25 = arith.constant 0 : i32
    %dma_wait3A_26 = tpu.memref_slice %arg2[%add3A_12, %dma_wait3A_25] : memref<2048x512xi32, #tpu.memory_space<hbm>> -> memref<64x512xi32, #tpu.memory_space<hbm>>
    %dma_wait3A_27 = arith.constant 0 : i32
    %dma_wait3A_28 = tpu.memref_slice %arg2[%add3A_12, %dma_wait3A_27] : memref<2048x512xi32, #tpu.memory_space<hbm>> -> memref<64x512xi32, #tpu.memory_space<hbm>>
    tpu.wait_dma2 semaphore(%arg8 : memref<!tpu.dma_semaphore, #tpu.memory_space<semaphore_mem>>) src(%dma_wait3A_28 : memref<64x512xi32, #tpu.memory_space<hbm>>) dst(%arg7 : memref<64x512xi32, #tpu.memory_space<vmem>>)
    %dma_start3A_29 = arith.constant 64 : i32
    %dma_start3A_30 = tpu.memref_slice %arg5[%dma_start3A_29] : memref<128xi32, #tpu.memory_space<vmem>> -> memref<64xi32, #tpu.memory_space<vmem>>
    %dma_start3A_31 = arith.constant 0 : i32
    %dma_start3A_32 = arith.constant 0 : i32
    %dma_start3A_33 = tpu.memref_slice %arg4[%dma_start3A_31, %dma_start3A_32] : memref<8192x512xi32, #tpu.memory_space<hbm>> -> memref<8192x512xi32, #tpu.memory_space<hbm>>
    tpu.enqueue_indirect_dma source(%arg7 : memref<64x512xi32, #tpu.memory_space<vmem>>) target(%dma_start3A_33 : memref<8192x512xi32, #tpu.memory_space<hbm>>) offsets(%dma_start3A_30 : memref<64xi32, #tpu.memory_space<vmem>>) semaphore(%arg9 : memref<!tpu.dma_semaphore, #tpu.memory_space<semaphore_mem>>)
    %dma_wait3A_34 = arith.constant 0 : i32
    %dma_wait3A_35 = tpu.memref_slice %arg5[%dma_wait3A_34] : memref<128xi32, #tpu.memory_space<vmem>> -> memref<64xi32, #tpu.memory_space<vmem>>
    %dma_wait3A_36 = arith.constant 0 : i32
    %dma_wait3A_37 = arith.constant 0 : i32
    %dma_wait3A_38 = tpu.memref_slice %arg4[%dma_wait3A_36, %dma_wait3A_37] : memref<8192x512xi32, #tpu.memory_space<hbm>> -> memref<8192x512xi32, #tpu.memory_space<hbm>>
    tpu.wait_indirect_dma semaphore(%arg9 : memref<!tpu.dma_semaphore, #tpu.memory_space<semaphore_mem>>) src(%arg6 : memref<64x512xi32, #tpu.memory_space<vmem>>) dst(%dma_wait3A_38 : memref<8192x512xi32, #tpu.memory_space<hbm>>)
    %dma_wait3A_39 = arith.constant 64 : i32
    %dma_wait3A_40 = tpu.memref_slice %arg5[%dma_wait3A_39] : memref<128xi32, #tpu.memory_space<vmem>> -> memref<64xi32, #tpu.memory_space<vmem>>
    %dma_wait3A_41 = arith.constant 0 : i32
    %dma_wait3A_42 = arith.constant 0 : i32
    %dma_wait3A_43 = tpu.memref_slice %arg4[%dma_wait3A_41, %dma_wait3A_42] : memref<8192x512xi32, #tpu.memory_space<hbm>> -> memref<8192x512xi32, #tpu.memory_space<hbm>>
    tpu.wait_indirect_dma semaphore(%arg9 : memref<!tpu.dma_semaphore, #tpu.memory_space<semaphore_mem>>) src(%arg7 : memref<64x512xi32, #tpu.memory_space<vmem>>) dst(%dma_wait3A_43 : memref<8192x512xi32, #tpu.memory_space<hbm>>)
    return
  }
}

module attributes {stable_mosaic.version = 14 : i64} {
  func.func @_router_body(%arg0: memref<2048x1024xf32, #tpu.memory_space<vmem>>, %arg1: memref<8x1024xf32, #tpu.memory_space<vmem>>, %arg2: memref<2048x1xf32, #tpu.memory_space<vmem>>, %arg3: memref<4096x1xi32, #tpu.memory_space<vmem>>, %arg4: memref<17x1xi32, #tpu.memory_space<vmem>>, %arg5: memref<2048x512xi32, #tpu.memory_space<vmem>>) attributes {dimension_semantics = [], scalar_prefetch = 0 : i64, scratch_operands = 0 : i64, tpu.core_type = #tpu.core_type<tc>} {
    %get3A = arith.constant 0 : index
    %get3A_0 = arith.constant 0 : index
    %get3A_1 = vector.load %arg0[%get3A, %get3A_0] : memref<2048x1024xf32, #tpu.memory_space<vmem>>, vector<2048x1024xf32>
    %get3A_2 = arith.constant 0 : index
    %get3A_3 = arith.constant 0 : index
    %get3A_4 = vector.load %arg1[%get3A_2, %get3A_3] : memref<8x1024xf32, #tpu.memory_space<vmem>>, vector<8x1024xf32>
    %convert_element_type3A = arith.truncf %get3A_1 : vector<2048x1024xf32> to vector<2048x1024xbf16>
    %convert_element_type3A_5 = arith.extf %convert_element_type3A : vector<2048x1024xbf16> to vector<2048x1024xf32>
    %bitcast_convert_type3A = tpu.bitcast %convert_element_type3A_5 : vector<2048x1024xf32> -> vector<2048x1024xi32>
    %slice3A = vector.extract_strided_slice %bitcast_convert_type3A {offsets = [0, 0], sizes = [2048, 512], strides = [1, 1]} : vector<2048x1024xi32> to vector<2048x512xi32>
    %shift_right_logical3A = arith.constant 16 : i32
    %shift_right_logical3A_6 = vector.broadcast %shift_right_logical3A : i32 to vector<2048x512xi32>
    %shift_right_logical3A_7 = arith.shrui %slice3A, %shift_right_logical3A_6 : vector<2048x512xi32>
    %slice3A_8 = vector.extract_strided_slice %bitcast_convert_type3A {offsets = [0, 512], sizes = [2048, 512], strides = [1, 1]} : vector<2048x1024xi32> to vector<2048x512xi32>
    %and3A = arith.constant -65536 : i32
    %and3A_9 = vector.broadcast %and3A : i32 to vector<2048x512xi32>
    %and3A_10 = arith.andi %slice3A_8, %and3A_9 : vector<2048x512xi32>
    %or3A = arith.ori %shift_right_logical3A_7, %and3A_10 : vector<2048x512xi32>
    %bitcast_convert_type3A_11 = tpu.bitcast %or3A : vector<2048x512xi32> -> vector<2048x512xi32>
    %swap3A = arith.constant 0 : index
    %swap3A_12 = arith.constant 0 : index
    %swap3A_13 = vector.load %arg5[%swap3A, %swap3A_12] : memref<2048x512xi32, #tpu.memory_space<vmem>>, vector<2048x512xi32>
    tpu.vector_store %arg5[%swap3A, %swap3A_12], %bitcast_convert_type3A_11 {strides = array<i32>} : memref<2048x512xi32, #tpu.memory_space<vmem>>, vector<2048x512xi32>,
    %dot_general3A = arith.constant dense<0.000000e+00> : vector<2048x8xf32>
    %dot_general3A_14 = tpu.matmul %get3A_1, %get3A_4, %dot_general3A {dimension_numbers = #tpu.dot_dimension_numbers<[1], [1], [0], [0], [0, 0, 1, 0], [], []>, transpose_lhs_hint = false} : vector<2048x1024xf32>, vector<8x1024xf32>, vector<2048x8xf32> -> vector<2048x8xf32>
    %iota3A = tpu.iota {dimensions = array<i32: 1>} : vector<2048x8xi32>
    %reduce_max3A = arith.constant dense<0xFF800000> : vector<2048xf32>
    %reduce_max3A_15 = vector.multi_reduction <maximumf>, %dot_general3A_14, %reduce_max3A [1] : vector<2048x8xf32> to vector<2048xf32>
    %broadcast_in_dim3A = vector.shape_cast %reduce_max3A_15 : vector<2048xf32> to vector<2048x1xf32>
    %eq3A = vector.broadcast %broadcast_in_dim3A : vector<2048x1xf32> to vector<2048x8xf32>
    %eq3A_16 = arith.cmpf oeq, %dot_general3A_14, %eq3A : vector<2048x8xf32>
    %jit3A = arith.constant 8 : i32
    %broadcast_in_dim3A_17 = vector.broadcast %jit3A : i32 to vector<2048x8xi32>
    %select_n3A = arith.select %eq3A_16, %iota3A, %broadcast_in_dim3A_17 : vector<2048x8xi1>, vector<2048x8xi32>
    %reduce_min3A = arith.constant dense<2147483647> : vector<2048xi32>
    %reduce_min3A_18 = vector.multi_reduction <minsi>, %select_n3A, %reduce_min3A [1] : vector<2048x8xi32> to vector<2048xi32>
    %broadcast_in_dim3A_19 = vector.shape_cast %reduce_min3A_18 : vector<2048xi32> to vector<2048x1xi32>
    %eq3A_20 = vector.broadcast %broadcast_in_dim3A_19 : vector<2048x1xi32> to vector<2048x8xi32>
    %eq3A_21 = arith.cmpi eq, %iota3A, %eq3A_20 : vector<2048x8xi32>
    %jit3A_22 = arith.constant 0xFF800000 : f32
    %broadcast_in_dim3A_23 = vector.broadcast %jit3A_22 : f32 to vector<2048x8xf32>
    %select_n3A_24 = arith.select %eq3A_21, %broadcast_in_dim3A_23, %dot_general3A_14 : vector<2048x8xi1>, vector<2048x8xf32>
    %reduce_max3A_25 = arith.constant dense<0xFF800000> : vector<2048xf32>
    %reduce_max3A_26 = vector.multi_reduction <maximumf>, %select_n3A_24, %reduce_max3A_25 [1] : vector<2048x8xf32> to vector<2048xf32>
    %broadcast_in_dim3A_27 = vector.shape_cast %reduce_max3A_26 : vector<2048xf32> to vector<2048x1xf32>
    %eq3A_28 = vector.broadcast %broadcast_in_dim3A_27 : vector<2048x1xf32> to vector<2048x8xf32>
    %eq3A_29 = arith.cmpf oeq, %select_n3A_24, %eq3A_28 : vector<2048x8xf32>
    %jit3A_30 = arith.constant 8 : i32
    %broadcast_in_dim3A_31 = vector.broadcast %jit3A_30 : i32 to vector<2048x8xi32>
    %select_n3A_32 = arith.select %eq3A_29, %iota3A, %broadcast_in_dim3A_31 : vector<2048x8xi1>, vector<2048x8xi32>
    %reduce_min3A_33 = arith.constant dense<2147483647> : vector<2048xi32>
    %reduce_min3A_34 = vector.multi_reduction <minsi>, %select_n3A_32, %reduce_min3A_33 [1] : vector<2048x8xi32> to vector<2048xi32>
    %sub3A = arith.subf %broadcast_in_dim3A_27, %broadcast_in_dim3A : vector<2048x1xf32>
    %exp3A = math.exp %sub3A : vector<2048x1xf32>
    %add3A = arith.constant 1.000000e+00 : f32
    %add3A_35 = vector.broadcast %add3A : f32 to vector<2048x1xf32>
    %add3A_36 = arith.addf %add3A_35, %exp3A : vector<2048x1xf32>
    %div3A = arith.constant 1.000000e+00 : f32
    %div3A_37 = vector.broadcast %div3A : f32 to vector<2048x1xf32>
    %div3A_38 = arith.divf %div3A_37, %add3A_36 : vector<2048x1xf32>
    %swap3A_39 = arith.constant 0 : index
    %swap3A_40 = arith.constant 0 : index
    %swap3A_41 = vector.load %arg2[%swap3A_39, %swap3A_40] : memref<2048x1xf32, #tpu.memory_space<vmem>>, vector<2048x1xf32>
    tpu.vector_store %arg2[%swap3A_39, %swap3A_40], %div3A_38 {strides = array<i32>} : memref<2048x1xf32, #tpu.memory_space<vmem>>, vector<2048x1xf32>,
    %broadcast_in_dim3A_42 = vector.shape_cast %reduce_min3A_18 : vector<2048xi32> to vector<2048x1xi32>
    %eq3A_43 = vector.broadcast %broadcast_in_dim3A_42 : vector<2048x1xi32> to vector<2048x8xi32>
    %eq3A_44 = arith.cmpi eq, %iota3A, %eq3A_43 : vector<2048x8xi32>
    %convert_element_type3A_45 = arith.extui %eq3A_44 : vector<2048x8xi1> to vector<2048x8xi32>
    %convert_element_type3A_46 = arith.sitofp %convert_element_type3A_45 : vector<2048x8xi32> to vector<2048x8xf32>
    %broadcast_in_dim3A_47 = vector.shape_cast %reduce_min3A_34 : vector<2048xi32> to vector<2048x1xi32>
    %eq3A_48 = vector.broadcast %broadcast_in_dim3A_47 : vector<2048x1xi32> to vector<2048x8xi32>
    %eq3A_49 = arith.cmpi eq, %iota3A, %eq3A_48 : vector<2048x8xi32>
    %convert_element_type3A_50 = arith.extui %eq3A_49 : vector<2048x8xi1> to vector<2048x8xi32>
    %convert_element_type3A_51 = arith.sitofp %convert_element_type3A_50 : vector<2048x8xi32> to vector<2048x8xf32>
    %concatenate3A = tpu.concatenate %convert_element_type3A_46, %convert_element_type3A_51 in 0 : vector<2048x8xf32>, vector<2048x8xf32> -> vector<4096x8xf32>
    %iota3A_52 = tpu.iota {dimensions = array<i32: 0>} : vector<512x512xi32>
    %iota3A_53 = tpu.iota {dimensions = array<i32: 1>} : vector<512x512xi32>
    %ge3A = arith.cmpi sge, %iota3A_52, %iota3A_53 : vector<512x512xi32>
    %convert_element_type3A_54 = arith.extui %ge3A : vector<512x512xi1> to vector<512x512xi32>
    %convert_element_type3A_55 = arith.sitofp %convert_element_type3A_54 : vector<512x512xi32> to vector<512x512xf32>
    %broadcast_in_dim3A_56 = arith.constant 0.000000e+00 : f32
    %broadcast_in_dim3A_57 = vector.broadcast %broadcast_in_dim3A_56 : f32 to vector<1x8xf32>
    %slice3A_58 = vector.extract_strided_slice %concatenate3A {offsets = [0, 0], sizes = [512, 8], strides = [1, 1]} : vector<4096x8xf32> to vector<512x8xf32>
    %dot_general3A_59 = arith.constant dense<0.000000e+00> : vector<512x8xf32>
    %dot_general3A_60 = tpu.matmul %convert_element_type3A_55, %slice3A_58, %dot_general3A_59 {dimension_numbers = #tpu.dot_dimension_numbers<[1], [0], [0], [1], [0, 0, 1, 1], [], []>, transpose_lhs_hint = false} : vector<512x512xf32>, vector<512x8xf32>, vector<512x8xf32> -> vector<512x8xf32>
    %add3A_61 = vector.broadcast %broadcast_in_dim3A_57 : vector<1x8xf32> to vector<512x8xf32>
    %add3A_62 = arith.addf %dot_general3A_60, %add3A_61 : vector<512x8xf32>
    %mul3A = arith.mulf %add3A_62, %slice3A_58 : vector<512x8xf32>
    %reduce_sum3A = arith.constant dense<0.000000e+00> : vector<512xf32>
    %reduce_sum3A_63 = vector.multi_reduction <add>, %mul3A, %reduce_sum3A [1] : vector<512x8xf32> to vector<512xf32>
    %broadcast_in_dim3A_64 = vector.shape_cast %reduce_sum3A_63 : vector<512xf32> to vector<512x1xf32>
    %sub3A_65 = arith.constant 1.000000e+00 : f32
    %sub3A_66 = vector.broadcast %sub3A_65 : f32 to vector<512x1xf32>
    %sub3A_67 = arith.subf %broadcast_in_dim3A_64, %sub3A_66 : vector<512x1xf32>
    %slice3A_68 = vector.extract_strided_slice %add3A_62 {offsets = [511, 0], sizes = [1, 8], strides = [1, 1]} : vector<512x8xf32> to vector<1x8xf32>
    %slice3A_69 = vector.extract_strided_slice %concatenate3A {offsets = [512, 0], sizes = [512, 8], strides = [1, 1]} : vector<4096x8xf32> to vector<512x8xf32>
    %dot_general3A_70 = arith.constant dense<0.000000e+00> : vector<512x8xf32>
    %dot_general3A_71 = tpu.matmul %convert_element_type3A_55, %slice3A_69, %dot_general3A_70 {dimension_numbers = #tpu.dot_dimension_numbers<[1], [0], [0], [1], [0, 0, 1, 1], [], []>, transpose_lhs_hint = false} : vector<512x512xf32>, vector<512x8xf32>, vector<512x8xf32> -> vector<512x8xf32>
    %add3A_72 = vector.broadcast %slice3A_68 : vector<1x8xf32> to vector<512x8xf32>
    %add3A_73 = arith.addf %dot_general3A_71, %add3A_72 : vector<512x8xf32>
    %mul3A_74 = arith.mulf %add3A_73, %slice3A_69 : vector<512x8xf32>
    %reduce_sum3A_75 = arith.constant dense<0.000000e+00> : vector<512xf32>
    %reduce_sum3A_76 = vector.multi_reduction <add>, %mul3A_74, %reduce_sum3A_75 [1] : vector<512x8xf32> to vector<512xf32>
    %broadcast_in_dim3A_77 = vector.shape_cast %reduce_sum3A_76 : vector<512xf32> to vector<512x1xf32>
    %sub3A_78 = arith.constant 1.000000e+00 : f32
    %sub3A_79 = vector.broadcast %sub3A_78 : f32 to vector<512x1xf32>
    %sub3A_80 = arith.subf %broadcast_in_dim3A_77, %sub3A_79 : vector<512x1xf32>
    %slice3A_81 = vector.extract_strided_slice %add3A_73 {offsets = [511, 0], sizes = [1, 8], strides = [1, 1]} : vector<512x8xf32> to vector<1x8xf32>
    %slice3A_82 = vector.extract_strided_slice %concatenate3A {offsets = [1024, 0], sizes = [512, 8], strides = [1, 1]} : vector<4096x8xf32> to vector<512x8xf32>
    %dot_general3A_83 = arith.constant dense<0.000000e+00> : vector<512x8xf32>
    %dot_general3A_84 = tpu.matmul %convert_element_type3A_55, %slice3A_82, %dot_general3A_83 {dimension_numbers = #tpu.dot_dimension_numbers<[1], [0], [0], [1], [0, 0, 1, 1], [], []>, transpose_lhs_hint = false} : vector<512x512xf32>, vector<512x8xf32>, vector<512x8xf32> -> vector<512x8xf32>
    %add3A_85 = vector.broadcast %slice3A_81 : vector<1x8xf32> to vector<512x8xf32>
    %add3A_86 = arith.addf %dot_general3A_84, %add3A_85 : vector<512x8xf32>
    %mul3A_87 = arith.mulf %add3A_86, %slice3A_82 : vector<512x8xf32>
    %reduce_sum3A_88 = arith.constant dense<0.000000e+00> : vector<512xf32>
    %reduce_sum3A_89 = vector.multi_reduction <add>, %mul3A_87, %reduce_sum3A_88 [1] : vector<512x8xf32> to vector<512xf32>
    %broadcast_in_dim3A_90 = vector.shape_cast %reduce_sum3A_89 : vector<512xf32> to vector<512x1xf32>
    %sub3A_91 = arith.constant 1.000000e+00 : f32
    %sub3A_92 = vector.broadcast %sub3A_91 : f32 to vector<512x1xf32>
    %sub3A_93 = arith.subf %broadcast_in_dim3A_90, %sub3A_92 : vector<512x1xf32>
    %slice3A_94 = vector.extract_strided_slice %add3A_86 {offsets = [511, 0], sizes = [1, 8], strides = [1, 1]} : vector<512x8xf32> to vector<1x8xf32>
    %slice3A_95 = vector.extract_strided_slice %concatenate3A {offsets = [1536, 0], sizes = [512, 8], strides = [1, 1]} : vector<4096x8xf32> to vector<512x8xf32>
    %dot_general3A_96 = arith.constant dense<0.000000e+00> : vector<512x8xf32>
    %dot_general3A_97 = tpu.matmul %convert_element_type3A_55, %slice3A_95, %dot_general3A_96 {dimension_numbers = #tpu.dot_dimension_numbers<[1], [0], [0], [1], [0, 0, 1, 1], [], []>, transpose_lhs_hint = false} : vector<512x512xf32>, vector<512x8xf32>, vector<512x8xf32> -> vector<512x8xf32>
    %add3A_98 = vector.broadcast %slice3A_94 : vector<1x8xf32> to vector<512x8xf32>
    %add3A_99 = arith.addf %dot_general3A_97, %add3A_98 : vector<512x8xf32>
    %mul3A_100 = arith.mulf %add3A_99, %slice3A_95 : vector<512x8xf32>
    %reduce_sum3A_101 = arith.constant dense<0.000000e+00> : vector<512xf32>
    %reduce_sum3A_102 = vector.multi_reduction <add>, %mul3A_100, %reduce_sum3A_101 [1] : vector<512x8xf32> to vector<512xf32>
    %broadcast_in_dim3A_103 = vector.shape_cast %reduce_sum3A_102 : vector<512xf32> to vector<512x1xf32>
    %sub3A_104 = arith.constant 1.000000e+00 : f32
    %sub3A_105 = vector.broadcast %sub3A_104 : f32 to vector<512x1xf32>
    %sub3A_106 = arith.subf %broadcast_in_dim3A_103, %sub3A_105 : vector<512x1xf32>
    %slice3A_107 = vector.extract_strided_slice %add3A_99 {offsets = [511, 0], sizes = [1, 8], strides = [1, 1]} : vector<512x8xf32> to vector<1x8xf32>
    %slice3A_108 = vector.extract_strided_slice %concatenate3A {offsets = [2048, 0], sizes = [512, 8], strides = [1, 1]} : vector<4096x8xf32> to vector<512x8xf32>
    %dot_general3A_109 = arith.constant dense<0.000000e+00> : vector<512x8xf32>
    %dot_general3A_110 = tpu.matmul %convert_element_type3A_55, %slice3A_108, %dot_general3A_109 {dimension_numbers = #tpu.dot_dimension_numbers<[1], [0], [0], [1], [0, 0, 1, 1], [], []>, transpose_lhs_hint = false} : vector<512x512xf32>, vector<512x8xf32>, vector<512x8xf32> -> vector<512x8xf32>
    %add3A_111 = vector.broadcast %slice3A_107 : vector<1x8xf32> to vector<512x8xf32>
    %add3A_112 = arith.addf %dot_general3A_110, %add3A_111 : vector<512x8xf32>
    %mul3A_113 = arith.mulf %add3A_112, %slice3A_108 : vector<512x8xf32>
    %reduce_sum3A_114 = arith.constant dense<0.000000e+00> : vector<512xf32>
    %reduce_sum3A_115 = vector.multi_reduction <add>, %mul3A_113, %reduce_sum3A_114 [1] : vector<512x8xf32> to vector<512xf32>
    %broadcast_in_dim3A_116 = vector.shape_cast %reduce_sum3A_115 : vector<512xf32> to vector<512x1xf32>
    %sub3A_117 = arith.constant 1.000000e+00 : f32
    %sub3A_118 = vector.broadcast %sub3A_117 : f32 to vector<512x1xf32>
    %sub3A_119 = arith.subf %broadcast_in_dim3A_116, %sub3A_118 : vector<512x1xf32>
    %slice3A_120 = vector.extract_strided_slice %add3A_112 {offsets = [511, 0], sizes = [1, 8], strides = [1, 1]} : vector<512x8xf32> to vector<1x8xf32>
    %slice3A_121 = vector.extract_strided_slice %concatenate3A {offsets = [2560, 0], sizes = [512, 8], strides = [1, 1]} : vector<4096x8xf32> to vector<512x8xf32>
    %dot_general3A_122 = arith.constant dense<0.000000e+00> : vector<512x8xf32>
    %dot_general3A_123 = tpu.matmul %convert_element_type3A_55, %slice3A_121, %dot_general3A_122 {dimension_numbers = #tpu.dot_dimension_numbers<[1], [0], [0], [1], [0, 0, 1, 1], [], []>, transpose_lhs_hint = false} : vector<512x512xf32>, vector<512x8xf32>, vector<512x8xf32> -> vector<512x8xf32>
    %add3A_124 = vector.broadcast %slice3A_120 : vector<1x8xf32> to vector<512x8xf32>
    %add3A_125 = arith.addf %dot_general3A_123, %add3A_124 : vector<512x8xf32>
    %mul3A_126 = arith.mulf %add3A_125, %slice3A_121 : vector<512x8xf32>
    %reduce_sum3A_127 = arith.constant dense<0.000000e+00> : vector<512xf32>
    %reduce_sum3A_128 = vector.multi_reduction <add>, %mul3A_126, %reduce_sum3A_127 [1] : vector<512x8xf32> to vector<512xf32>
    %broadcast_in_dim3A_129 = vector.shape_cast %reduce_sum3A_128 : vector<512xf32> to vector<512x1xf32>
    %sub3A_130 = arith.constant 1.000000e+00 : f32
    %sub3A_131 = vector.broadcast %sub3A_130 : f32 to vector<512x1xf32>
    %sub3A_132 = arith.subf %broadcast_in_dim3A_129, %sub3A_131 : vector<512x1xf32>
    %slice3A_133 = vector.extract_strided_slice %add3A_125 {offsets = [511, 0], sizes = [1, 8], strides = [1, 1]} : vector<512x8xf32> to vector<1x8xf32>
    %slice3A_134 = vector.extract_strided_slice %concatenate3A {offsets = [3072, 0], sizes = [512, 8], strides = [1, 1]} : vector<4096x8xf32> to vector<512x8xf32>
    %dot_general3A_135 = arith.constant dense<0.000000e+00> : vector<512x8xf32>
    %dot_general3A_136 = tpu.matmul %convert_element_type3A_55, %slice3A_134, %dot_general3A_135 {dimension_numbers = #tpu.dot_dimension_numbers<[1], [0], [0], [1], [0, 0, 1, 1], [], []>, transpose_lhs_hint = false} : vector<512x512xf32>, vector<512x8xf32>, vector<512x8xf32> -> vector<512x8xf32>
    %add3A_137 = vector.broadcast %slice3A_133 : vector<1x8xf32> to vector<512x8xf32>
    %add3A_138 = arith.addf %dot_general3A_136, %add3A_137 : vector<512x8xf32>
    %mul3A_139 = arith.mulf %add3A_138, %slice3A_134 : vector<512x8xf32>
    %reduce_sum3A_140 = arith.constant dense<0.000000e+00> : vector<512xf32>
    %reduce_sum3A_141 = vector.multi_reduction <add>, %mul3A_139, %reduce_sum3A_140 [1] : vector<512x8xf32> to vector<512xf32>
    %broadcast_in_dim3A_142 = vector.shape_cast %reduce_sum3A_141 : vector<512xf32> to vector<512x1xf32>
    %sub3A_143 = arith.constant 1.000000e+00 : f32
    %sub3A_144 = vector.broadcast %sub3A_143 : f32 to vector<512x1xf32>
    %sub3A_145 = arith.subf %broadcast_in_dim3A_142, %sub3A_144 : vector<512x1xf32>
    %slice3A_146 = vector.extract_strided_slice %add3A_138 {offsets = [511, 0], sizes = [1, 8], strides = [1, 1]} : vector<512x8xf32> to vector<1x8xf32>
    %slice3A_147 = vector.extract_strided_slice %concatenate3A {offsets = [3584, 0], sizes = [512, 8], strides = [1, 1]} : vector<4096x8xf32> to vector<512x8xf32>
    %dot_general3A_148 = arith.constant dense<0.000000e+00> : vector<512x8xf32>
    %dot_general3A_149 = tpu.matmul %convert_element_type3A_55, %slice3A_147, %dot_general3A_148 {dimension_numbers = #tpu.dot_dimension_numbers<[1], [0], [0], [1], [0, 0, 1, 1], [], []>, transpose_lhs_hint = false} : vector<512x512xf32>, vector<512x8xf32>, vector<512x8xf32> -> vector<512x8xf32>
    %add3A_150 = vector.broadcast %slice3A_146 : vector<1x8xf32> to vector<512x8xf32>
    %add3A_151 = arith.addf %dot_general3A_149, %add3A_150 : vector<512x8xf32>
    %mul3A_152 = arith.mulf %add3A_151, %slice3A_147 : vector<512x8xf32>
    %reduce_sum3A_153 = arith.constant dense<0.000000e+00> : vector<512xf32>
    %reduce_sum3A_154 = vector.multi_reduction <add>, %mul3A_152, %reduce_sum3A_153 [1] : vector<512x8xf32> to vector<512xf32>
    %broadcast_in_dim3A_155 = vector.shape_cast %reduce_sum3A_154 : vector<512xf32> to vector<512x1xf32>
    %sub3A_156 = arith.constant 1.000000e+00 : f32
    %sub3A_157 = vector.broadcast %sub3A_156 : f32 to vector<512x1xf32>
    %sub3A_158 = arith.subf %broadcast_in_dim3A_155, %sub3A_157 : vector<512x1xf32>
    %slice3A_159 = vector.extract_strided_slice %add3A_151 {offsets = [511, 0], sizes = [1, 8], strides = [1, 1]} : vector<512x8xf32> to vector<1x8xf32>
    %concatenate3A_160 = tpu.concatenate %sub3A_67, %sub3A_80, %sub3A_93, %sub3A_106, %sub3A_119, %sub3A_132, %sub3A_145, %sub3A_158 in 0 : vector<512x1xf32>, vector<512x1xf32>, vector<512x1xf32>, vector<512x1xf32>, vector<512x1xf32>, vector<512x1xf32>, vector<512x1xf32>, vector<512x1xf32> -> vector<4096x1xf32>
    %convert_element_type3A_161 = arith.fptosi %slice3A_159 : vector<1x8xf32> to vector<1x8xi32>
    %add3A_162 = arith.constant 512 : i32
    %add3A_163 = vector.broadcast %add3A_162 : i32 to vector<1x8xi32>
    %add3A_164 = arith.addi %convert_element_type3A_161, %add3A_163 : vector<1x8xi32>
    %sub3A_165 = arith.constant 1 : i32
    %sub3A_166 = vector.broadcast %sub3A_165 : i32 to vector<1x8xi32>
    %sub3A_167 = arith.subi %add3A_164, %sub3A_166 : vector<1x8xi32>
    %jit3A_168 = arith.constant 512 : i32
    %div3A_169 = vector.broadcast %jit3A_168 : i32 to vector<1x8xi32>
    %div3A_170 = arith.divsi %sub3A_167, %div3A_169 : vector<1x8xi32>
    %sign3A = arith.constant 0 : i32
    %sign3A_171 = vector.broadcast %sign3A : i32 to vector<1x8xi32>
    %sign3A_172 = arith.cmpi sgt, %sub3A_167, %sign3A_171 : vector<1x8xi32>
    %sign3A_173 = arith.extui %sign3A_172 : vector<1x8xi1> to vector<1x8xi32>
    %sign3A_174 = arith.constant 0 : i32
    %sign3A_175 = vector.broadcast %sign3A_174 : i32 to vector<1x8xi32>
    %sign3A_176 = arith.cmpi slt, %sub3A_167, %sign3A_175 : vector<1x8xi32>
    %sign3A_177 = arith.extui %sign3A_176 : vector<1x8xi1> to vector<1x8xi32>
    %sign3A_178 = arith.subi %sign3A_173, %sign3A_177 : vector<1x8xi32>
    %sign3A_179 = arith.constant 0 : i32
    %sign3A_180 = arith.cmpi sgt, %jit3A_168, %sign3A_179 : i32
    %sign3A_181 = arith.extui %sign3A_180 : i1 to i32
    %sign3A_182 = arith.constant 0 : i32
    %sign3A_183 = arith.cmpi slt, %jit3A_168, %sign3A_182 : i32
    %sign3A_184 = arith.extui %sign3A_183 : i1 to i32
    %sign3A_185 = arith.subi %sign3A_181, %sign3A_184 : i32
    %ne3A = vector.broadcast %sign3A_185 : i32 to vector<1x8xi32>
    %ne3A_186 = arith.cmpi ne, %sign3A_178, %ne3A : vector<1x8xi32>
    %rem3A = vector.broadcast %jit3A_168 : i32 to vector<1x8xi32>
    %rem3A_187 = arith.remsi %sub3A_167, %rem3A : vector<1x8xi32>
    %ne3A_188 = arith.constant 0 : i32
    %ne3A_189 = vector.broadcast %ne3A_188 : i32 to vector<1x8xi32>
    %ne3A_190 = arith.cmpi ne, %rem3A_187, %ne3A_189 : vector<1x8xi32>
    %and3A_191 = arith.andi %ne3A_186, %ne3A_190 : vector<1x8xi1>
    %sub3A_192 = arith.constant 1 : i32
    %sub3A_193 = vector.broadcast %sub3A_192 : i32 to vector<1x8xi32>
    %sub3A_194 = arith.subi %div3A_170, %sub3A_193 : vector<1x8xi32>
    %select_n3A_195 = arith.select %and3A_191, %sub3A_194, %div3A_170 : vector<1x8xi1>, vector<1x8xi32>
    %mul3A_196 = arith.constant 512 : i32
    %mul3A_197 = vector.broadcast %mul3A_196 : i32 to vector<1x8xi32>
    %mul3A_198 = arith.muli %select_n3A_195, %mul3A_197 : vector<1x8xi32>
    %convert_element_type3A_199 = arith.sitofp %mul3A_198 : vector<1x8xi32> to vector<1x8xf32>
    %iota3A_200 = tpu.iota {dimensions = array<i32: 0>} : vector<8x8xi32>
    %iota3A_201 = tpu.iota {dimensions = array<i32: 1>} : vector<8x8xi32>
    %le3A = arith.cmpi sle, %iota3A_200, %iota3A_201 : vector<8x8xi32>
    %convert_element_type3A_202 = arith.extui %le3A : vector<8x8xi1> to vector<8x8xi32>
    %convert_element_type3A_203 = arith.sitofp %convert_element_type3A_202 : vector<8x8xi32> to vector<8x8xf32>
    %dot_general3A_204 = arith.constant dense<0.000000e+00> : vector<1x8xf32>
    %dot_general3A_205 = tpu.matmul %convert_element_type3A_199, %convert_element_type3A_203, %dot_general3A_204 {dimension_numbers = #tpu.dot_dimension_numbers<[1], [0], [0], [1], [0, 0, 1, 1], [], []>, transpose_lhs_hint = false} : vector<1x8xf32>, vector<8x8xf32>, vector<1x8xf32> -> vector<1x8xf32>
    %sub3A_206 = arith.subf %dot_general3A_205, %convert_element_type3A_199 : vector<1x8xf32>
    %mul3A_207 = vector.broadcast %sub3A_206 : vector<1x8xf32> to vector<4096x8xf32>
    %mul3A_208 = arith.mulf %concatenate3A, %mul3A_207 : vector<4096x8xf32>
    %reduce_sum3A_209 = arith.constant dense<0.000000e+00> : vector<4096xf32>
    %reduce_sum3A_210 = vector.multi_reduction <add>, %mul3A_208, %reduce_sum3A_209 [1] : vector<4096x8xf32> to vector<4096xf32>
    %broadcast_in_dim3A_211 = vector.shape_cast %reduce_sum3A_210 : vector<4096xf32> to vector<4096x1xf32>
    %add3A_212 = arith.addf %broadcast_in_dim3A_211, %concatenate3A_160 : vector<4096x1xf32>
    %convert_element_type3A_213 = arith.fptosi %add3A_212 : vector<4096x1xf32> to vector<4096x1xi32>
    %swap3A_214 = arith.constant 0 : index
    %swap3A_215 = arith.constant 0 : index
    %swap3A_216 = vector.load %arg3[%swap3A_214, %swap3A_215] : memref<4096x1xi32, #tpu.memory_space<vmem>>, vector<4096x1xi32>
    tpu.vector_store %arg3[%swap3A_214, %swap3A_215], %convert_element_type3A_213 {strides = array<i32>} : memref<4096x1xi32, #tpu.memory_space<vmem>>, vector<4096x1xi32>,
    %iota3A_217 = tpu.iota {dimensions = array<i32: 0>} : vector<16x1xi32>
    %mul3A_218 = arith.constant 512 : i32
    %mul3A_219 = vector.broadcast %mul3A_218 : i32 to vector<16x1xi32>
    %mul3A_220 = arith.muli %iota3A_217, %mul3A_219 : vector<16x1xi32>
    %convert_element_type3A_221 = arith.sitofp %mul3A_220 : vector<16x1xi32> to vector<16x1xf32>
    %ge3A_222 = vector.broadcast %convert_element_type3A_221 : vector<16x1xf32> to vector<16x8xf32>
    %ge3A_223 = vector.broadcast %dot_general3A_205 : vector<1x8xf32> to vector<16x8xf32>
    %ge3A_224 = arith.cmpf oge, %ge3A_222, %ge3A_223 : vector<16x8xf32>
    %convert_element_type3A_225 = arith.extui %ge3A_224 : vector<16x8xi1> to vector<16x8xi32>
    %reduce_sum3A_226 = arith.constant dense<0> : vector<16xi32>
    %reduce_sum3A_227 = vector.multi_reduction <add>, %convert_element_type3A_225, %reduce_sum3A_226 [1] : vector<16x8xi32> to vector<16xi32>
    %broadcast_in_dim3A_228 = vector.shape_cast %reduce_sum3A_227 : vector<16xi32> to vector<16x1xi32>
    %min3A = arith.constant 7 : i32
    %min3A_229 = vector.broadcast %min3A : i32 to vector<16x1xi32>
    %min3A_230 = arith.minsi %broadcast_in_dim3A_228, %min3A_229 : vector<16x1xi32>
    %slice3A_231 = vector.extract_strided_slice %dot_general3A_205 {offsets = [0, 7], sizes = [1, 1], strides = [1, 1]} : vector<1x8xf32> to vector<1x1xf32>
    %mul3A_232 = arith.constant 0.001953125 : f32
    %mul3A_233 = vector.broadcast %mul3A_232 : f32 to vector<1x1xf32>
    %mul3A_234 = arith.mulf %slice3A_231, %mul3A_233 : vector<1x1xf32>
    %convert_element_type3A_235 = arith.fptosi %mul3A_234 : vector<1x1xf32> to vector<1x1xi32>
    %concatenate3A_236 = tpu.concatenate %min3A_230, %convert_element_type3A_235 in 0 : vector<16x1xi32>, vector<1x1xi32> -> vector<17x1xi32>
    %swap3A_237 = arith.constant 0 : index
    %swap3A_238 = arith.constant 0 : index
    %swap3A_239 = vector.load %arg4[%swap3A_237, %swap3A_238] : memref<17x1xi32, #tpu.memory_space<vmem>>, vector<17x1xi32>
    tpu.vector_store %arg4[%swap3A_237, %swap3A_238], %concatenate3A_236 {strides = array<i32>} : memref<17x1xi32, #tpu.memory_space<vmem>>, vector<17x1xi32>,
    return
  }
}

module attributes {stable_mosaic.version = 14 : i64} {
  func.func @_ffn_body(%arg0: i32, %arg1: memref<17xi32, #tpu.memory_space<smem>>, %arg2: memref<512x512xi32, #tpu.memory_space<vmem>>, %arg3: memref<1x1024x1024xf32, #tpu.memory_space<vmem>>, %arg4: memref<1x1024x1024xf32, #tpu.memory_space<vmem>>, %arg5: memref<512x1024xbf16, #tpu.memory_space<vmem>>, %arg6: memref<1024x1024xbf16, #tpu.memory_space<vmem>>, %arg7: memref<1024x1024xbf16, #tpu.memory_space<vmem>>) attributes {dimension_semantics = [#tpu.dimension_semantics<arbitrary>], iteration_bounds = array<i64: 16>, scalar_prefetch = 1 : i64, scratch_operands = 2 : i64, tpu.core_type = #tpu.core_type<tc>, window_params = [{transform_indices = @transform_0, window_bounds = array<i64: 512, 512>}, {transform_indices = @transform_1, window_bounds = array<i64: 1, 1024, 1024>}, {transform_indices = @transform_2, window_bounds = array<i64: 1, 1024, 1024>}, {transform_indices = @transform_3, window_bounds = array<i64: 512, 1024>}]} {
    %get3A = arith.constant 16 : index
    %get3A_0 = memref.load %arg1[%get3A] : memref<17xi32, #tpu.memory_space<smem>>
    %lt3A = arith.cmpi slt, %arg0, %get3A_0 : i32
    %eq3A = arith.constant 0 : i32
    %eq3A_1 = arith.cmpi eq, %arg0, %eq3A : i32
    %get3A_2 = arith.index_cast %arg0 : i32 to index
    %get3A_3 = memref.load %arg1[%get3A_2] : memref<17xi32, #tpu.memory_space<smem>>
    %sub3A = arith.constant 1 : i32
    %sub3A_4 = arith.subi %arg0, %sub3A : i32
    %max3A = arith.constant 0 : i32
    %max3A_5 = arith.maxsi %sub3A_4, %max3A : i32
    %get3A_6 = arith.index_cast %max3A_5 : i32 to index
    %get3A_7 = memref.load %arg1[%get3A_6] : memref<17xi32, #tpu.memory_space<smem>>
    %ne3A = arith.cmpi ne, %get3A_3, %get3A_7 : i32
    %or3A = arith.ori %eq3A_1, %ne3A : i1
    %and3A = arith.andi %lt3A, %or3A : i1
    %convert_element_type3A = arith.extui %and3A : i1 to i32
    %cond3A = arith.constant 0 : i32
    %cond3A_8 = arith.cmpi ne, %convert_element_type3A, %cond3A : i32
    scf.if %cond3A_8 {
      %get3A_12 = arith.constant 0 : index
      %get3A_13 = arith.constant 0 : index
      %get3A_14 = arith.constant 0 : index
      %get3A_15 = vector.load %arg3[%get3A_12, %get3A_13, %get3A_14] : memref<1x1024x1024xf32, #tpu.memory_space<vmem>>, vector<1x1024x1024xf32>
      %get3A_16 = vector.shape_cast %get3A_15 : vector<1x1024x1024xf32> to vector<1024x1024xf32>
      %convert_element_type3A_17 = arith.truncf %get3A_16 : vector<1024x1024xf32> to vector<1024x1024xbf16>
      %swap3A = arith.constant 0 : index
      %swap3A_18 = arith.constant 0 : index
      %swap3A_19 = vector.load %arg6[%swap3A, %swap3A_18] : memref<1024x1024xbf16, #tpu.memory_space<vmem>>, vector<1024x1024xbf16>
      tpu.vector_store %arg6[%swap3A, %swap3A_18], %convert_element_type3A_17 {strides = array<i32>} : memref<1024x1024xbf16, #tpu.memory_space<vmem>>, vector<1024x1024xbf16>,
      %get3A_20 = arith.constant 0 : index
      %get3A_21 = arith.constant 0 : index
      %get3A_22 = arith.constant 0 : index
      %get3A_23 = vector.load %arg4[%get3A_20, %get3A_21, %get3A_22] : memref<1x1024x1024xf32, #tpu.memory_space<vmem>>, vector<1x1024x1024xf32>
      %get3A_24 = vector.shape_cast %get3A_23 : vector<1x1024x1024xf32> to vector<1024x1024xf32>
      %convert_element_type3A_25 = arith.truncf %get3A_24 : vector<1024x1024xf32> to vector<1024x1024xbf16>
      %swap3A_26 = arith.constant 0 : index
      %swap3A_27 = arith.constant 0 : index
      %swap3A_28 = vector.load %arg7[%swap3A_26, %swap3A_27] : memref<1024x1024xbf16, #tpu.memory_space<vmem>>, vector<1024x1024xbf16>
      tpu.vector_store %arg7[%swap3A_26, %swap3A_27], %convert_element_type3A_25 {strides = array<i32>} : memref<1024x1024xbf16, #tpu.memory_space<vmem>>, vector<1024x1024xbf16>,
    } else {
    }
    %convert_element_type3A_9 = arith.extui %lt3A : i1 to i32
    %cond3A_10 = arith.constant 0 : i32
    %cond3A_11 = arith.cmpi ne, %convert_element_type3A_9, %cond3A_10 : i32
    scf.if %cond3A_11 {
      %get3A_12 = arith.constant 0 : index
      %get3A_13 = arith.constant 0 : index
      %get3A_14 = vector.load %arg2[%get3A_12, %get3A_13] : memref<512x512xi32, #tpu.memory_space<vmem>>, vector<512x512xi32>
      %bitcast_convert_type3A = tpu.bitcast %get3A_14 : vector<512x512xi32> -> vector<512x512xi32>
      %shift_left3A = arith.constant 16 : i32
      %shift_left3A_15 = vector.broadcast %shift_left3A : i32 to vector<512x512xi32>
      %shift_left3A_16 = arith.shli %bitcast_convert_type3A, %shift_left3A_15 : vector<512x512xi32>
      %bitcast_convert_type3A_17 = tpu.bitcast %shift_left3A_16 : vector<512x512xi32> -> vector<512x512xf32>
      %and3A_18 = arith.constant -65536 : i32
      %and3A_19 = vector.broadcast %and3A_18 : i32 to vector<512x512xi32>
      %and3A_20 = arith.andi %bitcast_convert_type3A, %and3A_19 : vector<512x512xi32>
      %bitcast_convert_type3A_21 = tpu.bitcast %and3A_20 : vector<512x512xi32> -> vector<512x512xf32>
      %concatenate3A = tpu.concatenate %bitcast_convert_type3A_17, %bitcast_convert_type3A_21 in 1 : vector<512x512xf32>, vector<512x512xf32> -> vector<512x1024xf32>
      %convert_element_type3A_22 = arith.truncf %concatenate3A : vector<512x1024xf32> to vector<512x1024xbf16>
      %get3A_23 = arith.constant 0 : index
      %get3A_24 = arith.constant 0 : index
      %get3A_25 = vector.load %arg6[%get3A_23, %get3A_24] : memref<1024x1024xbf16, #tpu.memory_space<vmem>>, vector<1024x1024xbf16>
      %dot_general3A = arith.constant dense<0.000000e+00> : vector<512x1024xf32>
      %dot_general3A_26 = tpu.matmul %convert_element_type3A_22, %get3A_25, %dot_general3A {dimension_numbers = #tpu.dot_dimension_numbers<[1], [1], [0], [0], [0, 0, 1, 0], [], []>, transpose_lhs_hint = false} : vector<512x1024xbf16>, vector<1024x1024xbf16>, vector<512x1024xf32> -> vector<512x1024xf32>
      %mul3A = arith.constant 5.000000e-01 : f32
      %mul3A_27 = vector.broadcast %mul3A : f32 to vector<512x1024xf32>
      %mul3A_28 = arith.mulf %mul3A_27, %dot_general3A_26 : vector<512x1024xf32>
      %tanh3A = math.tanh %mul3A_28 : vector<512x1024xf32>
      %mul3A_29 = arith.constant 5.000000e-01 : f32
      %mul3A_30 = vector.broadcast %mul3A_29 : f32 to vector<512x1024xf32>
      %mul3A_31 = arith.mulf %mul3A_30, %tanh3A : vector<512x1024xf32>
      %add3A = arith.constant 5.000000e-01 : f32
      %add3A_32 = vector.broadcast %add3A : f32 to vector<512x1024xf32>
      %add3A_33 = arith.addf %add3A_32, %mul3A_31 : vector<512x1024xf32>
      %mul3A_34 = arith.mulf %dot_general3A_26, %add3A_33 : vector<512x1024xf32>
      %convert_element_type3A_35 = arith.truncf %mul3A_34 : vector<512x1024xf32> to vector<512x1024xbf16>
      %get3A_36 = arith.constant 0 : index
      %get3A_37 = arith.constant 0 : index
      %get3A_38 = vector.load %arg7[%get3A_36, %get3A_37] : memref<1024x1024xbf16, #tpu.memory_space<vmem>>, vector<1024x1024xbf16>
      %dot_general3A_39 = arith.constant dense<0.000000e+00> : vector<512x1024xf32>
      %dot_general3A_40 = tpu.matmul %convert_element_type3A_35, %get3A_38, %dot_general3A_39 {dimension_numbers = #tpu.dot_dimension_numbers<[1], [1], [0], [0], [0, 0, 1, 0], [], []>, transpose_lhs_hint = false} : vector<512x1024xbf16>, vector<1024x1024xbf16>, vector<512x1024xf32> -> vector<512x1024xf32>
      %convert_element_type3A_41 = arith.truncf %dot_general3A_40 : vector<512x1024xf32> to vector<512x1024xbf16>
      %swap3A = arith.constant 0 : index
      %swap3A_42 = arith.constant 0 : index
      %swap3A_43 = vector.load %arg5[%swap3A, %swap3A_42] : memref<512x1024xbf16, #tpu.memory_space<vmem>>, vector<512x1024xbf16>
      tpu.vector_store %arg5[%swap3A, %swap3A_42], %convert_element_type3A_41 {strides = array<i32>} : memref<512x1024xbf16, #tpu.memory_space<vmem>>, vector<512x1024xbf16>,
    } else {
    }
    return
  }
  func.func @transform_0(%arg0: i32, %arg1: memref<17xi32, #tpu.memory_space<smem>>) -> (i32, i32) {
    %c0_i32 = arith.constant 0 : i32
    %c0_i32_0 = arith.constant 0 : i32
    return %arg0, %c0_i32 : i32, i32
  }
  func.func @transform_1(%arg0: i32, %arg1: memref<17xi32, #tpu.memory_space<smem>>) -> (i32, i32, i32) {
    %get3A = arith.index_cast %arg0 : i32 to index
    %get3A_0 = memref.load %arg1[%get3A] : memref<17xi32, #tpu.memory_space<smem>>
    %c0_i32 = arith.constant 0 : i32
    %c0_i32_1 = arith.constant 0 : i32
    %c0_i32_2 = arith.constant 0 : i32
    return %get3A_0, %c0_i32, %c0_i32_1 : i32, i32, i32
  }
  func.func @transform_2(%arg0: i32, %arg1: memref<17xi32, #tpu.memory_space<smem>>) -> (i32, i32, i32) {
    %get3A = arith.index_cast %arg0 : i32 to index
    %get3A_0 = memref.load %arg1[%get3A] : memref<17xi32, #tpu.memory_space<smem>>
    %c0_i32 = arith.constant 0 : i32
    %c0_i32_1 = arith.constant 0 : i32
    %c0_i32_2 = arith.constant 0 : i32
    return %get3A_0, %c0_i32, %c0_i32_1 : i32, i32, i32
  }
  func.func @transform_3(%arg0: i32, %arg1: memref<17xi32, #tpu.memory_space<smem>>) -> (i32, i32) {
    %c0_i32 = arith.constant 0 : i32
    %c0_i32_0 = arith.constant 0 : i32
    return %arg0, %c0_i32 : i32, i32
  }
}

</mosaic_0001>

<sc_bundles>
// kernel: kernel.5.cloned.1.call-start
scs
__scs_entry_jumppad:
0x0: {  	(pc) =	sbr.rel $0x88, $3  }
0x1: {  	(tag) =	ssettag $0x0;
	lr =	simm.s32 $0x1  }
0x2: {  	[smem:$0x3F9D] =	sst lr;
	_ =	strace $0xD0000000  }
0x3: {  	_ = 	snop  }
0x4: {  	_ = 	snop  }
0x5: {  	_ = 	snop  }
0x6: {  	_ = 	snop  }
0x7: {  	_ = 	snop  }
__scs_overlays_trampoline_lowered:
0x8: {  	[smem:$0x3FAC] =	sst s0  }
0x9: {  	[smem:$0x3FAD] =	sst s1  }
0xa: {  	[smem:$0x3FAE] =	sst s2  }
0xb: {  	[smem:$0x3FAF] =	sst s3  }
0xc: {  	[smem:$0x3FB0] =	sst s4  }
0xd: {  	[smem:$0x3FB1] =	sst s5  }
0xe: {  	[smem:$0x3FB2] =	sst s6  }
0xf: {  	[smem:$0x3FB3] =	sst s7  }
0x10: {  	[smem:$0x3FB4] =	sst s8  }
0x11: {  	[smem:$0x3FB5] =	sst s9;
	s0 =	simm.s32 @!p0 $0x0  }
0x12: {  	s1 =	sld [smem:$0x3F9B];
	s0 =	simm.s32 @p0 $0x1  }
0x13: {  	[smem:$0x3FB6] =	sst s0;
	s0 =	simm.s32 @!p1 $0x0  }
0x14: {  	s2 =	sld [smem:$0x3F9A];
	s0 =	simm.s32 @p1 $0x1  }
0x15: {  	[smem:$0x3FB7] =	sst s0;
	s0 =	simm.s32 @!p2 $0x0  }
0x16: {  	s3 =	sld [smem:$0x3FDB];
	s0 =	simm.s32 @p2 $0x1  }
0x17: {  	s4 =	simm.s32 $0x1BF5;
	[smem:$0x3FB9] =	sst s0  }
0x18: {  	s0 =	sld [smem:$0x3F9C];
	_ =	swait.ge [sflag:s4], $0x0  }
0x19: {  	s7 =	sld [smem:$0x3F9D]  }
0x1a: {  	s8 =	sadd.s32 $0xFFFFE003, lr  }
0x1b: {  	s9 =	sadd.s32 $0xFFFFFEF7, lr;
	s5 =	simm.s32 $0xFFFFFFFF;
	p2 =	slt.u32 s8, $0xFFFFF086  }
0x1c: {  	p1 =	slt.u32 s9, $0xF7A;
	s5 =	simm.s32 @!p2 $0x0  }
0x1d: {  	s5 =	simm.s32 @p1 $0x1;
	p0 =	seq.s32 s7, s2  }
0x1e: {  	s7 =	smul.u32 @!p0 $0xF7A, s2;
	p2 =	seq.s32 @!p0 s5, $0x0  }
0x1f: {  	s9 =	smul.u32 $0xF7A, s1;
	s8 =	simm.s32 @!p0 $0x1BF5;
	p2 =	por !p2, p0  }
0x20: {  	[sflag:s8] =	ssyncset.s32 @!p0 $0xFFFFF086;
	s6 =	sadd.s32 @!p0 s3, s7;
	s7 =	simm.s32 @!p0 $0x108  }
0x21: {  	s3 =	sadd.s32 s3, s9;
	s6 =	sadd.s32 @!p0 $0x88, s6;
	s7 =	simm.s32 @p2 $0x1082  }
0x22: {  	[simem:s7], [sflag:s8] =	dma.local @!p0 [hbm:s6], $0xF7A  }
0x23: {  	s9 =	sor.u32 $0xD0000000, s2;
	s6 =	simm.s32 $0x108;
	_ =	swait.ge @!p0 [sflag:s8], $0x0  }
0x24: {  	s3 =	sadd.s32 $0x88, s3;
	s6 =	simm.s32 @!p1 $0x1082;
	[sflag:s4] =	ssyncset.s32 $0xFFFFF086  }
0x25: {  	[simem:s6], [sflag:s4] =	dma.local [hbm:s3], $0xF7A  }
0x26: {  	[smem:$0x3F9D] =	sst s1;
	(tag) =	ssettag s2;
	_ =	strace s9  }
0x27: {  	s1 =	sld [smem:$0x3FAD]  }
0x28: {  	s2 =	sld [smem:$0x3FAE]  }
0x29: {  	s4 =	sld [smem:$0x3FB0]  }
0x2a: {  	p0 =	seq.s32 s5, $0x0;
	s5 =	sld [smem:$0x3FB1]  }
0x2b: {  	s6 =	sld [smem:$0x3FB2]  }
0x2c: {  	s7 =	sld [smem:$0x3FB3]  }
0x2d: {  	s3 =	simm.s32 $0x108;
	s8 =	sld [smem:$0x3FB4]  }
0x2e: {  	s3 =	simm.s32 @!p0 $0x1082;
	s9 =	sld [smem:$0x3FB5]  }
0x2f: {  	lr =	sadd.s32 s0, s3;
	s0 =	sld [smem:$0x3FAC]  }
0x30: {  	s3 =	sld [smem:$0x3FAF]  }
0x31: {  	[smem:$0x3FB8] =	sst s10  }
0x32: {  	s10 =	sld [smem:$0x3FB6];
	_ =	sdelay $0x3  }
0x33: {  	p0 =	seq.s32 s10, $0x1;
	s10 =	sld [smem:$0x3FB8];
	_ =	sdelay $0x3  }
0x34: {  	[smem:$0x3FB8] =	sst s10  }
0x35: {  	s10 =	sld [smem:$0x3FB7];
	_ =	sdelay $0x3  }
0x36: {  	p1 =	seq.s32 s10, $0x1;
	s10 =	sld [smem:$0x3FB8];
	_ =	sdelay $0x3  }
0x37: {  	[smem:$0x3FB8] =	sst s10  }
0x38: {  	s10 =	sld [smem:$0x3FB9]  }
0x39: {  	_ = 	snop;
	(pc) =	sbr.ind lr, $3  }
0x3a: {  	_ = 	snop  }
0x3b: {  	_ = 	snop  }
0x3c: {  	p2 =	seq.s32 s10, $0x1;
	s10 =	sld [smem:$0x3FB8]  }
0x3d: {  	_ =	shalt  }
0x3e: {  	_ =	shalt  }
0x3f: {  	_ =	shalt  }
0x40: {  	_ =	shalt  }
0x41: {  	_ =	shalt  }
0x42: {  	_ =	shalt  }
0x43: {  	_ =	shalt  }
0x44: {  	_ =	shalt  }
0x45: {  	_ =	shalt  }
0x46: {  	_ =	shalt  }
0x47: {  	_ =	shalt  }
0x48: {  	_ =	shalt  }
0x49: {  	_ =	shalt  }
0x4a: {  	_ =	shalt  }
0x4b: {  	_ =	shalt  }
0x4c: {  	_ =	shalt  }
0x4d: {  	_ =	shalt  }
0x4e: {  	_ =	shalt  }
0x4f: {  	_ =	shalt  }
0x50: {  	_ =	shalt  }
0x51: {  	_ =	shalt  }
0x52: {  	_ =	shalt  }
0x53: {  	_ =	shalt  }
0x54: {  	_ =	shalt  }
0x55: {  	_ =	shalt  }
0x56: {  	_ =	shalt  }
0x57: {  	_ =	shalt  }
0x58: {  	_ =	shalt  }
0x59: {  	_ =	shalt  }
0x5a: {  	_ =	shalt  }
0x5b: {  	_ =	shalt  }
0x5c: {  	_ =	shalt  }
0x5d: {  	_ =	shalt  }
0x5e: {  	_ =	shalt  }
0x5f: {  	_ =	shalt  }
0x60: {  	_ =	shalt  }
0x61: {  	_ =	shalt  }
0x62: {  	_ =	shalt  }
0x63: {  	_ =	shalt  }
0x64: {  	_ =	shalt  }
0x65: {  	_ =	shalt  }
0x66: {  	_ =	shalt  }
0x67: {  	_ =	shalt  }
0x68: {  	_ =	shalt  }
0x69: {  	_ =	shalt  }
0x6a: {  	_ =	shalt  }
0x6b: {  	_ =	shalt  }
0x6c: {  	_ =	shalt  }
0x6d: {  	_ =	shalt  }
0x6e: {  	_ =	shalt  }
0x6f: {  	_ =	shalt  }
0x70: {  	_ =	shalt  }
0x71: {  	_ =	shalt  }
0x72: {  	_ =	shalt  }
0x73: {  	_ =	shalt  }
0x74: {  	_ =	shalt  }
0x75: {  	_ =	shalt  }
0x76: {  	_ =	shalt  }
0x77: {  	_ =	shalt  }
0x78: {  	_ =	shalt  }
0x79: {  	_ =	shalt  }
0x7a: {  	_ =	shalt  }
0x7b: {  	_ =	shalt  }
0x7c: {  	_ =	shalt  }
0x7d: {  	_ =	shalt  }
0x7e: {  	_ =	shalt  }
0x7f: {  	_ =	shalt  }
0x80: {  	_ =	shalt  }
0x81: {  	_ =	shalt  }
0x82: {  	_ =	shalt  }
0x83: {  	_ =	shalt  }
0x84: {  	_ =	shalt  }
0x85: {  	_ =	shalt  }
0x86: {  	_ =	shalt  }
0x87: {  	_ =	shalt  }
.Lfunc_end0:
.L_simem_size_0:
called_computation_lowered:
.L_overlay_start_0:
0x88: {  	s2 =	sld [smem:$0x3FD9]  }
0x89: {  	s3 =	sld [smem:$0x3FFE];
	_ =	sdelay $0x1  }
0x8a: {  	s1 =	srdreg.scid  }
0x8b: {  	s0 =	sand.u32 $0x1, s1  }
0x8c: {  	s17 =	sshll.u32 s0, $0xA;
	s2 =	sadd.s32 s3, s2  }
0x8d: {  	s2 =	sadd.s32 s2, s17  }
0x8e: {  	[smem:$0x3FC4] =	sst s2  }
0x8f: {  	_ = 	snop  }
0x90: {  	s2 =	sld [smem:$0x3FD0];
	(tm) =	ssettm $0x1  }
0x91: {  	s18 =	sld [smem:$0x3FFB];
	_ =	sdelay $0x3  }
0x92: {  	_ =	strace s18  }
0x93: {  	s3 =	sld [smem:$0x3FFC];
	_ =	sdelay $0x3  }
0x94: {  	_ =	strace s3  }
0x95: {  	s3 =	sld [smem:$0x3FFD];
	_ =	sdelay $0x3  }
0x96: {  	_ =	strace s3  }
0x97: {  	_ =	strace $0x8FFFFFFF  }
0x98: {  	s19 =	sld [smem:$0x3FDB];
	_ =	sdelay $0x1  }
0x99: {  	s4 =	simm.s32 $_scs_section_size  }
0x9a: {  	s5 =	simm.s32 $_size__tile_overlayer_lowered;
	s6 =	simm.s32 $_tile_overlayer_lowered  }
0x9b: {  	s22 =	simm.s32 $0x1BFF;
	s21 =	sshll.u32 s6, $0x1;
	s3 =	sadd.s32 s4, s19  }
0x9c: {  	s7 =	simm.s32 $0x0;
	s20 =	sshll.u32 s5, $0x1;
	s5 =	sadd.s32 s21, s3  }
0x9d: {  	[timem:s7], [sflag:s22] =	dma.local [hbm:s5], s20  }
0x9e: {  	_ =	swait.ge [sflag:s22], s20  }
0x9f: {  	s4 =	ssub.s32 $0x0, s20;
	[sflag:s22] =	ssyncset.done $0x0  }
0xa0: {  	[sflag:s22] =	ssyncadd.s32 s4;
	_ =	sdelay $0x1  }
0xa1: {  	s23 =	simm.s32 $0x1B8B  }
0xa2: {  	_ =	swait.ge [sflag:s23], $0x1  }
0xa3: {  	[sflag:s23] =	ssyncset.done $0x0  }
0xa4: {  	s25 =	simm.s32 $0x1B8E;
	s24 =	sld [smem:$0x3FFE];
	[sflag:s23] =	ssyncadd.s32 $0xFFFFFFFF  }
0xa5: {  	s26 =	simm.s32 $execute0_lowered;
	[smem:$0x3FD2] =	sst s25  }
0xa6: {  	s5 =	sshll.u32 s26, $0x1;
	_ =	strace $0x80000046;
	[dreg:$0x1] =	wrdreg $0xFFFFFFFF  }
0xa7: {  	s28 =	simm.s32 $_size_execute0_lowered;
	s3 =	sadd.s32 s3, s5;
	[dreg:$0x0] =	wrdreg $0x0  }
0xa8: {  	s5 =	sshll.u32 s28, $0x1;
	[dreg:$0x2] =	wrdreg s3  }
0xa9: {  	[dreg:$0x3] =	wrdreg s5  }
0xaa: {  	[dreg:$0x4] =	wrdreg $0xC0  }
0xab: {  	_ =	task [dreg:s7], $0x5FFFF  }
0xac: {  	[dreg:$0x1] =	wrdreg $0xFFFFFFFF  }
0xad: {  	[dreg:$0x0] =	wrdreg $0x60  }
0xae: {  	[dreg:$0x2] =	wrdreg s2  }
0xaf: {  	[dreg:$0x3] =	wrdreg s24  }
0xb0: {  	[dreg:$0x4] =	wrdreg $0x9  }
0xb1: {  	_ =	task.clear_ibuf [dreg:s7], $0x5FFFF;
	_ =	strace $0x90000046  }
0xb2: {  	s29 =	simm.s32 $0x9;
	_ =	strace $0x80000048  }
0xb3: {  	_ =	swait.ge [sflag:s29], $0x1  }
0xb4: {  	[sflag:s29] =	ssyncadd.s32 $0xFFFFFFFF  }
0xb5: {  	_ =	strace $0x90000048  }
0xb6: {  	_ =	sfence  }
0xb7: {  	s30 =	sld [smem:$0x0];
	_ =	sdelay $0x2  }
0xb8: {  	s31 =	sshll.u32 s1, $0xD;
	s1 =	sshrl.u32 s1, $0x2  }
0xb9: {  	s3 =	sand.u32 $0x4000, s31;
	s1 =	sadd.s32 s1, s30  }
0xba: {  	s0 =	sor.u32 s3, s0;
	s1 =	sshll.u32 s1, $0x11  }
0xbb: {  	s0 =	sor.u32 s1, s0  }
0xbc: {  	s0 =	sadd.s32 $0x8F2B, s0  }
0xbd: {  	[sflag:s0] =	ssyncadd.remote.s32 $0x1  }
0xbe: {  	_ =	sfence.sel $0xFFFF  }
0xbf: {  	[dreg:$0x0] =	wrdreg $0xFFFFFFFF;
	(pc) =	sbr.abs _section_cstart, $3  }
0xc0: {  	[dreg:$0x1] =	wrdreg $0xFFFFFFFF  }
0xc1: {  	_ =	task.clear_ibuf [dreg:s7], $0x2FFFF;
	_ =	strace $0x9FFFFFFF  }
0xc2: {  	(tm) =	ssettm $0x7FFFFFFF  }
0xc3: {  	_ =	shalt  }
tec
execute0_lowered:
.L_overlay_start_1:
0x0: {  	(tag) =	ssettag $0x1  }
0x1: {  	s1 =	srdreg.scid;
	s3 =	rddreg [dreg:$0x0]  }
0x2: {  	s0 =	stileid.u32;
	s5 =	rddreg [dreg:$0x1];
	s17 =	simm.s32 $0x880  }
0x3: {  	s18 =	simm.s32 $0x1080;
	s19 =	simm.s32 $0x1880;
	s20 =	simm.s32 $0x2080  }
0x4: {  	s21 =	simm.s32 $0x2880;
	s22 =	simm.s32 $0x3080;
	s23 =	simm.s32 $0x3880  }
0x5: {  	s24 =	simm.s32 $0x4080;
	s1 =	sand.u32 $0x1, s1;
	s2 =	sshll.u32 s0, $0x1  }
0x6: {  	s25 =	simm.s32 $0x4880;
	s4 =	sor.u32 s1, s2;
	s2 =	simm.s32 $0x0  }
0x7: {  	s8 =	simm.s32 $0x80;
	s26 =	simm.s32 $0x5080;
	[smem:$0x7FF] =	sst s2  }
0x8: {  	s9 =	simm.s32 $0x8080;
	_ =	strace $0x80000047;
	[dreg:$0x5] =	wrdreg s17  }
0x9: {  	s10 =	simm.s32 $0x1;
	s12 =	simm.s32 $0x6080;
	[dreg:$0x6] =	wrdreg s18  }
0xa: {  	s13 =	simm.s32 $0x6880;
	s14 =	simm.s32 $0x7080;
	[dreg:$0x7] =	wrdreg s19  }
0xb: {  	s15 =	simm.s32 $0x7880;
	s28 =	simm.s32 $0xE080;
	[dreg:$0x8] =	wrdreg s20  }
0xc: {  	s29 =	simm.s32 $0xE880;
	s30 =	simm.s32 $0xF080;
	[dreg:$0x9] =	wrdreg s21  }
0xd: {  	s31 =	simm.s32 $0xF880;
	s1 =	ssub.s32 $0x2, s1;
	[dreg:$0xa] =	wrdreg s22  }
0xe: {  	s6 =	sshll.u32 s4, $0xD;
	s4 =	sshll.u32 s4, $0x4;
	[dreg:$0xb] =	wrdreg s23  }
0xf: {  	s7 =	sshrl.u32 s1, $0x1;
	s6 =	sand.u32 $0x1E000, s6;
	[dreg:$0xc] =	wrdreg s24  }
0x10: {  	s4 =	sadd.s32 s5, s4;
	s1 =	ssub.s32 s1, s7;
	[dreg:$0xd] =	wrdreg s25  }
0x11: {  	s7 =	simm.s32 $0x3;
	[dreg:$0xe] =	wrdreg s26;
	s17 =	simm.s32 $0x9080  }
0x12: {  	s18 =	simm.s32 $0x9880;
	s19 =	simm.s32 $0xA080;
	s20 =	simm.s32 $0xA880  }
0x13: {  	s21 =	simm.s32 $0xB080;
	s22 =	simm.s32 $0xB880;
	s23 =	simm.s32 $0xC080  }
0x14: {  	s24 =	simm.s32 $0xC880;
	s25 =	simm.s32 $0xD080;
	s26 =	simm.s32 $0xD880  }
0x15: {  	v2 =	vlaneseq.u32;
	s3 =	sadd.s32 s3, s6;
	[dreg:$0x3] =	wrdreg s4;
	s4 =	sadd.s32 $0x200, s5  }
0x16: {  	vm0 =	vmmov $0xffff;
	v1 =	vshrl.u32 v2, $0x3;
	s5 =	sadd.s32 $0x300, s5;
	s6 =	smax.u32 s1, $0x1;
	s16 =	sadd.s32 $0x1000, s3  }
0x17: {  	v0 =	vand.u32 $0x7, v2;
	v2 =	vor.u32 $0x8, v2;
	v1 =	vmul.u32 $0x8, v1;
	s1 =	simm.s32 $0x2;
	[dreg:$0x4] =	wrdreg s16;
	s16 =	simm.s32 $0x8880  }
.LBB2_1:
0x18: {  	s0 =	rddreg [dreg:$0x3]  }
0x19: {  	[tilespmem:s2], [sflag:$0x3] =	stream.linear.gather [hbm4b:s0+s2], $0x80, $0x38;
	[tilespmem:$0x10080] =	vst v63  }
0x1a: {  	_ =	swait.ge [sflag:s7], $0x80  }
0x1b: {  	[sflag:s7] =	ssyncset.done $0x0  }
0x1c: {  	[sflag:s7] =	ssyncadd.s32 $0xFFFFFF80  }
0x1d: {  	[tilespmem:s8], [sflag:$0x1] =	stream.linear.gather [hbm4b:s3+s2], $0x8000, $0x38;
	[tilespmem:$0x10080] =	vst v63  }
0x1e: {  	s11 =	rddreg [dreg:$0x4]  }
0x1f: {  	[tilespmem:s9], [sflag:$0x1] =	stream.linear.gather [hbm4b:s11+s2], $0x8000, $0x38;
	[tilespmem:$0x10080] =	vst v63  }
0x20: {  	_ =	swait.ge [sflag:s10], $0x8000  }
0x21: {  	[sflag:s10] =	ssyncset.done $0x0  }
0x22: {  	[sflag:s10] =	ssyncadd.s32 $0xFFFF8000  }
0x23: {  	v3 =	vld [tilespmem:$0x0];
	_ =	sdelay $0x4  }
0x24: {  	v4 =	vshll.u32 v3, $0x2  }
0x25: {  	v3 =	vand.u32 $0x7, v3;
	v4 =	vand.u32 $0xFFFFFFE0, v4  }
0x26: {  	v3 =	vor.u32 v3, v4  }
0x27: {  	v4 =	vperm.xlane v3, v0;
	_ =	sdelay $0x1  }
0x28: {  	v4 =	vadd.s32 v1, v4;
	_ =	sdelay $0x1  }
0x29: {  	v3 =	vperm.xlane v3, v2;
	_ =	sdelay $0x1  }
0x2a: {  	v3 =	vadd.s32 v1, v3  }
0x2b: {  	[hbm4b:s4+s2] =	stream.indirect_vreg.scatter [tilespmem:s8], [sflag:$0x2], $0x80, v4, vm0, $0xb8;
	[tilespmem:$0x10080] =	vst v63  }
0x2c: {  	s0 =	rddreg [dreg:$0x5]  }
0x2d: {  	[hbm4b:s5+s2] =	stream.indirect_vreg.scatter [tilespmem:s0], [sflag:$0x2], $0x80, v4, vm0, $0xb8;
	[tilespmem:$0x10080] =	vst v63  }
0x2e: {  	s11 =	rddreg [dreg:$0x6]  }
0x2f: {  	[hbm4b:s4+s2] =	stream.indirect_vreg.scatter [tilespmem:s11], [sflag:$0x2], $0x80, v3, vm0, $0xb8;
	[tilespmem:$0x10080] =	vst v63  }
0x30: {  	s0 =	rddreg [dreg:$0x7]  }
0x31: {  	[hbm4b:s5+s2] =	stream.indirect_vreg.scatter [tilespmem:s0], [sflag:$0x2], $0x80, v3, vm0, $0xb8;
	[tilespmem:$0x10080] =	vst v63  }
0x32: {  	v3 =	vld [tilespmem:$0x10];
	_ =	sdelay $0x4  }
0x33: {  	v57 =	vshll.u32 v3, $0x2  }
0x34: {  	v3 =	vand.u32 $0x7, v3;
	v4 =	vand.u32 $0xFFFFFFE0, v57  }
0x35: {  	v3 =	vor.u32 v3, v4  }
0x36: {  	v4 =	vperm.xlane v3, v0;
	_ =	sdelay $0x1  }
0x37: {  	v4 =	vadd.s32 v1, v4;
	_ =	sdelay $0x1  }
0x38: {  	v3 =	vperm.xlane v3, v2;
	_ =	sdelay $0x1  }
0x39: {  	s0 =	rddreg [dreg:$0x8];
	v3 =	vadd.s32 v1, v3  }
0x3a: {  	[hbm4b:s4+s2] =	stream.indirect_vreg.scatter [tilespmem:s0], [sflag:$0x2], $0x80, v4, vm0, $0xb8;
	[tilespmem:$0x10080] =	vst v63  }
0x3b: {  	s11 =	rddreg [dreg:$0x9]  }
0x3c: {  	[hbm4b:s5+s2] =	stream.indirect_vreg.scatter [tilespmem:s11], [sflag:$0x2], $0x80, v4, vm0, $0xb8;
	[tilespmem:$0x10080] =	vst v63  }
0x3d: {  	s0 =	rddreg [dreg:$0xa]  }
0x3e: {  	[hbm4b:s4+s2] =	stream.indirect_vreg.scatter [tilespmem:s0], [sflag:$0x2], $0x80, v3, vm0, $0xb8;
	[tilespmem:$0x10080] =	vst v63  }
0x3f: {  	s11 =	rddreg [dreg:$0xb]  }
0x40: {  	[hbm4b:s5+s2] =	stream.indirect_vreg.scatter [tilespmem:s11], [sflag:$0x2], $0x80, v3, vm0, $0xb8;
	[tilespmem:$0x10080] =	vst v63  }
0x41: {  	v3 =	vld [tilespmem:$0x20];
	_ =	sdelay $0x4  }
0x42: {  	v58 =	vshll.u32 v3, $0x2  }
0x43: {  	v3 =	vand.u32 $0x7, v3;
	v4 =	vand.u32 $0xFFFFFFE0, v58  }
0x44: {  	v3 =	vor.u32 v3, v4  }
0x45: {  	v4 =	vperm.xlane v3, v0;
	_ =	sdelay $0x1  }
0x46: {  	v4 =	vadd.s32 v1, v4;
	_ =	sdelay $0x1  }
0x47: {  	v3 =	vperm.xlane v3, v2;
	_ =	sdelay $0x1  }
0x48: {  	s0 =	rddreg [dreg:$0xc];
	v3 =	vadd.s32 v1, v3  }
0x49: {  	[hbm4b:s4+s2] =	stream.indirect_vreg.scatter [tilespmem:s0], [sflag:$0x2], $0x80, v4, vm0, $0xb8;
	[tilespmem:$0x10080] =	vst v63  }
0x4a: {  	s11 =	rddreg [dreg:$0xd]  }
0x4b: {  	[hbm4b:s5+s2] =	stream.indirect_vreg.scatter [tilespmem:s11], [sflag:$0x2], $0x80, v4, vm0, $0xb8;
	[tilespmem:$0x10080] =	vst v63  }
0x4c: {  	s0 =	rddreg [dreg:$0xe]  }
0x4d: {  	[hbm4b:s4+s2] =	stream.indirect_vreg.scatter [tilespmem:s0], [sflag:$0x2], $0x80, v3, vm0, $0xb8;
	[tilespmem:$0x10080] =	vst v63  }
0x4e: {  	s11 =	simm.s32 $0x5880  }
0x4f: {  	[hbm4b:s5+s2] =	stream.indirect_vreg.scatter [tilespmem:s11], [sflag:$0x2], $0x80, v3, vm0, $0xb8;
	[tilespmem:$0x10080] =	vst v63  }
0x50: {  	v3 =	vld [tilespmem:$0x30];
	_ =	sdelay $0x4  }
0x51: {  	v59 =	vshll.u32 v3, $0x2  }
0x52: {  	v3 =	vand.u32 $0x7, v3;
	v4 =	vand.u32 $0xFFFFFFE0, v59  }
0x53: {  	v3 =	vor.u32 v3, v4  }
0x54: {  	v4 =	vperm.xlane v3, v0;
	_ =	sdelay $0x1  }
0x55: {  	v4 =	vadd.s32 v1, v4;
	_ =	sdelay $0x1  }
0x56: {  	v3 =	vperm.xlane v3, v2;
	_ =	sdelay $0x1  }
0x57: {  	v3 =	vadd.s32 v1, v3  }
0x58: {  	[hbm4b:s4+s2] =	stream.indirect_vreg.scatter [tilespmem:s12], [sflag:$0x2], $0x80, v4, vm0, $0xb8;
	[tilespmem:$0x10080] =	vst v63  }
0x59: {  	_ = 	snop  }
0x5a: {  	[hbm4b:s5+s2] =	stream.indirect_vreg.scatter [tilespmem:s13], [sflag:$0x2], $0x80, v4, vm0, $0xb8;
	[tilespmem:$0x10080] =	vst v63  }
0x5b: {  	_ = 	snop  }
0x5c: {  	[hbm4b:s4+s2] =	stream.indirect_vreg.scatter [tilespmem:s14], [sflag:$0x2], $0x80, v3, vm0, $0xb8;
	[tilespmem:$0x10080] =	vst v63  }
0x5d: {  	_ = 	snop  }
0x5e: {  	[hbm4b:s5+s2] =	stream.indirect_vreg.scatter [tilespmem:s15], [sflag:$0x2], $0x80, v3, vm0, $0xb8;
	[tilespmem:$0x10080] =	vst v63  }
0x5f: {  	_ =	swait.ge [sflag:s10], $0x8000  }
0x60: {  	[sflag:s10] =	ssyncset.done $0x0  }
0x61: {  	[sflag:s10] =	ssyncadd.s32 $0xFFFF8000  }
0x62: {  	v3 =	vld [tilespmem:$0x40];
	_ =	sdelay $0x4  }
0x63: {  	v60 =	vshll.u32 v3, $0x2  }
0x64: {  	v3 =	vand.u32 $0x7, v3;
	v4 =	vand.u32 $0xFFFFFFE0, v60  }
0x65: {  	v3 =	vor.u32 v3, v4  }
0x66: {  	v4 =	vperm.xlane v3, v0;
	_ =	sdelay $0x1  }
0x67: {  	v4 =	vadd.s32 v1, v4;
	_ =	sdelay $0x1  }
0x68: {  	v3 =	vperm.xlane v3, v2;
	_ =	sdelay $0x1  }
0x69: {  	v3 =	vadd.s32 v1, v3  }
0x6a: {  	[hbm4b:s4+s2] =	stream.indirect_vreg.scatter [tilespmem:s9], [sflag:$0x2], $0x80, v4, vm0, $0xb8;
	[tilespmem:$0x10080] =	vst v63  }
0x6b: {  	_ = 	snop  }
0x6c: {  	[hbm4b:s5+s2] =	stream.indirect_vreg.scatter [tilespmem:s16], [sflag:$0x2], $0x80, v4, vm0, $0xb8;
	[tilespmem:$0x10080] =	vst v63  }
0x6d: {  	_ = 	snop  }
0x6e: {  	[hbm4b:s4+s2] =	stream.indirect_vreg.scatter [tilespmem:s17], [sflag:$0x2], $0x80, v3, vm0, $0xb8;
	[tilespmem:$0x10080] =	vst v63  }
0x6f: {  	_ = 	snop  }
0x70: {  	[hbm4b:s5+s2] =	stream.indirect_vreg.scatter [tilespmem:s18], [sflag:$0x2], $0x80, v3, vm0, $0xb8;
	[tilespmem:$0x10080] =	vst v63  }
0x71: {  	v3 =	vld [tilespmem:$0x50];
	_ =	sdelay $0x4  }
0x72: {  	v61 =	vshll.u32 v3, $0x2  }
0x73: {  	v3 =	vand.u32 $0x7, v3;
	v4 =	vand.u32 $0xFFFFFFE0, v61  }
0x74: {  	v3 =	vor.u32 v3, v4  }
0x75: {  	v4 =	vperm.xlane v3, v0;
	_ =	sdelay $0x1  }
0x76: {  	v4 =	vadd.s32 v1, v4;
	_ =	sdelay $0x1  }
0x77: {  	v3 =	vperm.xlane v3, v2;
	_ =	sdelay $0x1  }
0x78: {  	v3 =	vadd.s32 v1, v3  }
0x79: {  	[hbm4b:s4+s2] =	stream.indirect_vreg.scatter [tilespmem:s19], [sflag:$0x2], $0x80, v4, vm0, $0xb8;
	[tilespmem:$0x10080] =	vst v63  }
0x7a: {  	_ = 	snop  }
0x7b: {  	[hbm4b:s5+s2] =	stream.indirect_vreg.scatter [tilespmem:s20], [sflag:$0x2], $0x80, v4, vm0, $0xb8;
	[tilespmem:$0x10080] =	vst v63  }
0x7c: {  	_ = 	snop  }
0x7d: {  	[hbm4b:s4+s2] =	stream.indirect_vreg.scatter [tilespmem:s21], [sflag:$0x2], $0x80, v3, vm0, $0xb8;
	[tilespmem:$0x10080] =	vst v63  }
0x7e: {  	_ = 	snop  }
0x7f: {  	[hbm4b:s5+s2] =	stream.indirect_vreg.scatter [tilespmem:s22], [sflag:$0x2], $0x80, v3, vm0, $0xb8;
	[tilespmem:$0x10080] =	vst v63  }
0x80: {  	v3 =	vld [tilespmem:$0x60];
	_ =	sdelay $0x4  }
0x81: {  	v62 =	vshll.u32 v3, $0x2  }
0x82: {  	v3 =	vand.u32 $0x7, v3;
	v4 =	vand.u32 $0xFFFFFFE0, v62  }
0x83: {  	v3 =	vor.u32 v3, v4  }
0x84: {  	v4 =	vperm.xlane v3, v0;
	_ =	sdelay $0x1  }
0x85: {  	v4 =	vadd.s32 v1, v4;
	_ =	sdelay $0x1  }
0x86: {  	v3 =	vperm.xlane v3, v2;
	_ =	sdelay $0x1  }
0x87: {  	v3 =	vadd.s32 v1, v3  }
0x88: {  	[hbm4b:s4+s2] =	stream.indirect_vreg.scatter [tilespmem:s23], [sflag:$0x2], $0x80, v4, vm0, $0xb8;
	[tilespmem:$0x10080] =	vst v63  }
0x89: {  	_ = 	snop  }
0x8a: {  	[hbm4b:s5+s2] =	stream.indirect_vreg.scatter [tilespmem:s24], [sflag:$0x2], $0x80, v4, vm0, $0xb8;
	[tilespmem:$0x10080] =	vst v63  }
0x8b: {  	_ = 	snop  }
0x8c: {  	[hbm4b:s4+s2] =	stream.indirect_vreg.scatter [tilespmem:s25], [sflag:$0x2], $0x80, v3, vm0, $0xb8;
	[tilespmem:$0x10080] =	vst v63  }
0x8d: {  	_ = 	snop  }
0x8e: {  	[hbm4b:s5+s2] =	stream.indirect_vreg.scatter [tilespmem:s26], [sflag:$0x2], $0x80, v3, vm0, $0xb8;
	[tilespmem:$0x10080] =	vst v63  }
0x8f: {  	v3 =	vld [tilespmem:$0x70];
	_ =	sdelay $0x4  }
0x90: {  	v63 =	vshll.u32 v3, $0x2  }
0x91: {  	v3 =	vand.u32 $0x7, v3;
	v4 =	vand.u32 $0xFFFFFFE0, v63  }
0x92: {  	v3 =	vor.u32 v3, v4  }
0x93: {  	v4 =	vperm.xlane v3, v0;
	_ =	sdelay $0x1  }
0x94: {  	v4 =	vadd.s32 v1, v4;
	_ =	sdelay $0x1  }
0x95: {  	v3 =	vperm.xlane v3, v2;
	_ =	sdelay $0x1  }
0x96: {  	v3 =	vadd.s32 v1, v3  }
0x97: {  	[hbm4b:s4+s2] =	stream.indirect_vreg.scatter [tilespmem:s28], [sflag:$0x2], $0x80, v4, vm0, $0xb8;
	[tilespmem:$0x10080] =	vst v63  }
0x98: {  	_ = 	snop  }
0x99: {  	[hbm4b:s5+s2] =	stream.indirect_vreg.scatter [tilespmem:s29], [sflag:$0x2], $0x80, v4, vm0, $0xb8;
	[tilespmem:$0x10080] =	vst v63  }
0x9a: {  	_ = 	snop  }
0x9b: {  	[hbm4b:s4+s2] =	stream.indirect_vreg.scatter [tilespmem:s30], [sflag:$0x2], $0x80, v3, vm0, $0xb8;
	[tilespmem:$0x10080] =	vst v63  }
0x9c: {  	_ = 	snop  }
0x9d: {  	[hbm4b:s5+s2] =	stream.indirect_vreg.scatter [tilespmem:s31], [sflag:$0x2], $0x80, v3, vm0, $0xb8;
	[tilespmem:$0x10080] =	vst v63  }
0x9e: {  	p0 =	sne.s32 s6, $0x1;
	_ =	swait.ge [sflag:s1], $0x8000  }
.Ltmp0:
0x9f: {  	[sflag:s1] =	ssyncset.done $0x0;
	(pc) =	sbr.rel @p0 .LBB2_1-.Ltmp0, $4  }
0xa0: {  	[sflag:s1] =	ssyncadd.s32 $0xFFFF8000  }
0xa1: {  	_ =	swait.ge [sflag:s1], $0x8000  }
0xa2: {  	[sflag:s1] =	ssyncset.done $0x0  }
0xa3: {  	s6 =	sadd.s32 $0xFFFFFFFF, s6;
	[sflag:s1] =	ssyncadd.s32 $0xFFFF8000  }
0xa4: {  	_ =	sfence.sel $0x180000  }
0xa5: {  	[bflag:$0x0] =	sbarrier.arrive $0xFFFF  }
0xa6: {  	_ =	strace $0x90000047  }
0xa7: {  	s0 =	stileid.u32;
	[bflag:$0x2] =	sbarrier.arrive $0xFFFF  }
0xa8: {  	p0 =	sne.s32 s0, $0x0;
	s0 =	rddreg [dreg:$0x2]  }
0xa9: {  	s0 =	sadd.s32 @!p0 $0x100000, s0  }
0xaa: {  	[sflag:s0] =	ssyncadd.tile.s32 @!p0 $0x1;
	_ =	shalt  }
.Lfunc_end2:
_tile_overlayer_lowered:
.L_overlay_start_2:
0xab: {  	(tag) =	ssettag $0x2  }
0xac: {  	s0 =	rddreg [dreg:$0x0];
	s2 =	stileid.u32  }
0xad: {  	s1 =	rddreg [dreg:$0x1];
	p0 =	sne.s32 s2, $0x0  }
0xae: {  	s3 =	rddreg [dreg:$0x2];
	[bflag:$0x3] =	sbarrier.arrive $0xFFFF;
	s2 =	simm.s32 @!p0 $0x1C03  }
0xaf: {  	[timem:s3], [sflag:s2] =	dma.local @!p0 [hbm:s0], s1  }
0xb0: {  	s0 =	simm.s32 @!p0 $0x3  }
0xb1: {  	_ =	swait.ge @!p0 [sflag:s0], s1  }
0xb2: {  	s1 =	ssub.s32 @!p0 $0x0, s1;
	[sflag:s0] =	ssyncset.done @!p0 $0x0  }
0xb3: {  	[sflag:s0] =	ssyncadd.s32 @!p0 s1  }
0xb4: {  	[bflag:$0x3] =	sbarrier.arrive $0xFFFF  }
0xb5: {  	_ =	shalt  }

</sc_bundles>
